<compile_context>
chip_gen: v7x
topology: tpu7x:2x2x1
jax: 0.10.2.dev20260603
libtpu: 0.0.44.dev20260713+nightly
codegen_flags: <defaults>
</compile_context>

<pallas_src>
import functools
import jax
import jax.numpy as jnp
from jax import lax
from jax.experimental import pallas as pl
from jax.experimental.pallas import tpu as pltpu
from jax.experimental.pallas import tpu_sc as plsc

_D = 64
_SCALE = 8.0

_NC = 2
_NS = 16
_NW = _NC * _NS
_L = 128
_J = 200
_JT = _J // 8

@jax.jit
def _sc_embed(xp, table):
    mesh = plsc.VectorSubcoreMesh(
        core_axis_name="c", subcore_axis_name="s", num_cores=_NC
    )

    @functools.partial(
        pl.kernel,
        mesh=mesh,
        out_type=jax.ShapeDtypeStruct((_J, 8, _NW, 8, _L), jnp.float32),
        scratch_types=[
            pltpu.VMEM((_JT, 8 * _L), jnp.int32),
            pltpu.VMEM((2, _L, _D), jnp.float32),
            pltpu.VMEM((16, 8, 129), jnp.float32),
            pltpu.SemaphoreType.DMA,
            pltpu.SemaphoreType.DMA,
            pltpu.SemaphoreType.DMA,
            pltpu.SemaphoreType.DMA,
        ],
        compiler_params=pltpu.CompilerParams(
            use_tc_tiling_on_sc=False, needs_layout_passes=False
        ),
    )
    def k(table_hbm, xp_hbm, out_hbm, idx_slab, rows, outb,
          gsem0, gsem1, ssem0, ssem1):
        gsem = (gsem0, gsem1)
        ssem = (ssem0, ssem1)
        w = lax.axis_index("s") * _NC + lax.axis_index("c")

        pltpu.sync_copy(xp_hbm.at[:, w], idx_slab)

        iota = lax.iota(jnp.int32, 16)
        g_of_i = iota // 8
        r_of_i = iota % 8

        def idx_row(j):
            return idx_slab.at[j // 8, pl.ds((j % 8) * _L, _L)]

        def gather(j, par):
            return pltpu.async_copy(
                table_hbm.at[idx_row(j)], rows.at[par], gsem[par]
            )

        gather(0, 0)

        def body(i, carry):
            for par in (0, 1):
                j = 2 * i + par
                pltpu.make_async_copy(
                    table_hbm.at[idx_row(j)], rows.at[par], gsem[par]
                ).wait()

                @pl.when(j + 1 < _J)
                def _():
                    gather(j + 1, 1 - par)

                @pl.when(j >= 2)
                def _():
                    pltpu.make_async_copy(
                        outb.at[pl.ds(par * 8, 8), :, pl.ds(0, _L)],
                        out_hbm.at[j - 2, :, w],
                        ssem[par],
                    ).wait()

                @plsc.parallel_loop(0, _L, unroll=8)
                def tl(l):
                    lvec = jnp.full((16,), l, jnp.int32)
                    for ph in range(4):
                        v = rows[par, l, pl.ds(16 * ph, 16)] * _SCALE
                        plsc.store_scatter(
                            outb,
                            [g_of_i + (par * 8 + 2 * ph), r_of_i, lvec],
                            v,
                        )

                pltpu.async_copy(
                    outb.at[pl.ds(par * 8, 8), :, pl.ds(0, _L)],
                    out_hbm.at[j, :, w],
                    ssem[par],
                )
            return carry

        lax.fori_loop(0, _J // 2, body, 0)

        pltpu.make_async_copy(
            outb.at[pl.ds(0, 8), :, pl.ds(0, _L)],
            out_hbm.at[_J - 2, :, w],
            ssem[0],
        ).wait()
        pltpu.make_async_copy(
            outb.at[pl.ds(8, 8), :, pl.ds(0, _L)],
            out_hbm.at[_J - 1, :, w],
            ssem[1],
        ).wait()

    return k(table, xp)


def kernel(x, table):
    B, L = x.shape
    xp = (
        x.astype(jnp.int32)
        .T.reshape(_JT, 8, _NW, _L)
        .transpose(0, 2, 1, 3)
        .reshape(_JT, _NW, 8 * _L)
    )
    out5 = _sc_embed(xp, table)
    return out5.transpose(2, 4, 0, 1, 3).reshape(B, L, _D)

# --- scband reference (transcript-rebuilt; emitter-appended) ---
"""Pipeline reference for scband-embedding-51917564674586 (READ-ONLY COPY).

The authoritative reference and input builder live on the scoring server;
editing this copy changes nothing except your own understanding.
"""

import jax, jax.numpy as jnp
import numpy as np
import math

VOCAB_SIZE = 1000000
D_MODEL = 64

def setup_inputs(seed: int = 0) -> dict:
    key = jax.random.key(seed)
    k1, k2 = jax.random.split(key)
    x = jax.random.randint(k1, (4096, 200), 0, VOCAB_SIZE, dtype=jnp.int64 if jax.config.jax_enable_x64 else jnp.int32)
    # Learned embedding table, N(0,1) init like nn.Embedding default
    table = jax.random.normal(k2, (VOCAB_SIZE, D_MODEL), dtype=jnp.float32)
    return {"x": x, "table": table}

def reference(x, table):
    # embeddings = self.embed(x); return embeddings * sqrt(d_model)
    embeddings = jnp.take(table, x, axis=0)  # [B, L, d_model]
    return embeddings * math.sqrt(D_MODEL)

if __name__ == "__main__":
    import jax
    _d = setup_inputs()
    print(jax.jit(kernel)(*tuple(_d.values())))

</pallas_src>

<mosaic_0001>
#map = affine_map<(d0, d1) -> (0, 0)>
#map1 = affine_map<(d0, d1) -> (0, 0, 0)>
#map2 = affine_map<(d0, d1) -> (0, 0, 0, 0, 0)>
module attributes {stable_mosaic.version = 14 : i64} {
  func.func @k(%arg0: i32, %arg1: i32, %arg2: memref<1000000x64xf32, #tpu.memory_space<hbm>>, %arg3: memref<25x32x1024xi32, #tpu.memory_space<hbm>>, %arg4: memref<200x8x32x8x128xf32, #tpu.memory_space<hbm>>, %arg5: memref<25x1024xi32, #tpu.memory_space<vmem>>, %arg6: memref<2x128x64xf32, #tpu.memory_space<vmem>>, %arg7: memref<16x8x129xf32, #tpu.memory_space<vmem>>, %arg8: memref<!tpu.dma_semaphore, #tpu.memory_space<semaphore_mem>>, %arg9: memref<!tpu.dma_semaphore, #tpu.memory_space<semaphore_mem>>, %arg10: memref<!tpu.dma_semaphore, #tpu.memory_space<semaphore_mem>>, %arg11: memref<!tpu.dma_semaphore, #tpu.memory_space<semaphore_mem>>) attributes {dimension_semantics = [#tpu.dimension_semantics<core_parallel>, #tpu.dimension_semantics<subcore_parallel>], iteration_bounds = array<i64: 2, 16>, scalar_prefetch = 0 : i64, scratch_operands = 7 : i64, tpu.core_type = #tpu.core_type<sc_vector_subcore>, window_params = [{transform_indices = #map}, {transform_indices = #map1}, {transform_indices = #map2}]} {
    %mul3A = arith.constant 2 : i32
    %mul3A_0 = arith.muli %arg1, %mul3A : i32
    %add3A = arith.addi %mul3A_0, %arg0 : i32
    "tpu.region"() ({
      %run_scoped3A = tpu.sem_alloc : memref<!tpu.dma_semaphore, #tpu.memory_space<semaphore_mem>>
      %dma_start3A_97 = arith.constant 0 : i32
      %dma_start3A_98 = arith.constant 0 : i32
      %dma_start3A_99 = tpu.memref_slice %arg3[%dma_start3A_97, %add3A, %dma_start3A_98] : memref<25x32x1024xi32, #tpu.memory_space<hbm>> -> memref<25x1x1024xi32, #tpu.memory_space<hbm>>
      %dma_start3A_100 = tpu.memref_squeeze %dma_start3A_99 : memref<25x1x1024xi32, #tpu.memory_space<hbm>> -> memref<25x1024xi32, #tpu.memory_space<hbm>>
      %dma_start3A_101 = arith.constant 0 : i32
      %dma_start3A_102 = arith.constant 0 : i32
      %dma_start3A_103 = tpu.memref_slice %arg3[%dma_start3A_101, %add3A, %dma_start3A_102] : memref<25x32x1024xi32, #tpu.memory_space<hbm>> -> memref<25x1x1024xi32, #tpu.memory_space<hbm>>
      %dma_start3A_104 = tpu.memref_squeeze %dma_start3A_103 : memref<25x1x1024xi32, #tpu.memory_space<hbm>> -> memref<25x1024xi32, #tpu.memory_space<hbm>>
      tpu.enqueue_dma source(%dma_start3A_104 : memref<25x1024xi32, #tpu.memory_space<hbm>>) target(%arg5 : memref<25x1024xi32, #tpu.memory_space<vmem>>) target_semaphore(%run_scoped3A : memref<!tpu.dma_semaphore, #tpu.memory_space<semaphore_mem>>)
      %dma_wait3A_105 = arith.constant 0 : i32
      %dma_wait3A_106 = arith.constant 0 : i32
      %dma_wait3A_107 = tpu.memref_slice %arg3[%dma_wait3A_105, %add3A, %dma_wait3A_106] : memref<25x32x1024xi32, #tpu.memory_space<hbm>> -> memref<25x1x1024xi32, #tpu.memory_space<hbm>>
      %dma_wait3A_108 = tpu.memref_squeeze %dma_wait3A_107 : memref<25x1x1024xi32, #tpu.memory_space<hbm>> -> memref<25x1024xi32, #tpu.memory_space<hbm>>
      %dma_wait3A_109 = arith.constant 0 : i32
      %dma_wait3A_110 = arith.constant 0 : i32
      %dma_wait3A_111 = tpu.memref_slice %arg3[%dma_wait3A_109, %add3A, %dma_wait3A_110] : memref<25x32x1024xi32, #tpu.memory_space<hbm>> -> memref<25x1x1024xi32, #tpu.memory_space<hbm>>
      %dma_wait3A_112 = tpu.memref_squeeze %dma_wait3A_111 : memref<25x1x1024xi32, #tpu.memory_space<hbm>> -> memref<25x1024xi32, #tpu.memory_space<hbm>>
      tpu.wait_dma2 semaphore(%run_scoped3A : memref<!tpu.dma_semaphore, #tpu.memory_space<semaphore_mem>>) src(%dma_wait3A_112 : memref<25x1024xi32, #tpu.memory_space<hbm>>) dst(%arg5 : memref<25x1024xi32, #tpu.memory_space<vmem>>)
      tpu.yield
    }) : () -> ()
    %iota3A = tpu.iota {dimensions = array<i32: 0>} : vector<16xi32>
    %jit3A = arith.constant 8 : i32
    %div3A = vector.broadcast %jit3A : i32 to vector<16xi32>
    %div3A_1 = arith.divsi %iota3A, %div3A : vector<16xi32>
    %sign3A = arith.constant 0 : i32
    %sign3A_2 = vector.broadcast %sign3A : i32 to vector<16xi32>
    %sign3A_3 = arith.cmpi sgt, %iota3A, %sign3A_2 : vector<16xi32>
    %sign3A_4 = arith.extui %sign3A_3 : vector<16xi1> to vector<16xi32>
    %sign3A_5 = arith.constant 0 : i32
    %sign3A_6 = vector.broadcast %sign3A_5 : i32 to vector<16xi32>
    %sign3A_7 = arith.cmpi slt, %iota3A, %sign3A_6 : vector<16xi32>
    %sign3A_8 = arith.extui %sign3A_7 : vector<16xi1> to vector<16xi32>
    %sign3A_9 = arith.subi %sign3A_4, %sign3A_8 : vector<16xi32>
    %sign3A_10 = arith.constant 0 : i32
    %sign3A_11 = arith.cmpi sgt, %jit3A, %sign3A_10 : i32
    %sign3A_12 = arith.extui %sign3A_11 : i1 to i32
    %sign3A_13 = arith.constant 0 : i32
    %sign3A_14 = arith.cmpi slt, %jit3A, %sign3A_13 : i32
    %sign3A_15 = arith.extui %sign3A_14 : i1 to i32
    %sign3A_16 = arith.subi %sign3A_12, %sign3A_15 : i32
    %ne3A = vector.broadcast %sign3A_16 : i32 to vector<16xi32>
    %ne3A_17 = arith.cmpi ne, %sign3A_9, %ne3A : vector<16xi32>
    %rem3A = vector.broadcast %jit3A : i32 to vector<16xi32>
    %rem3A_18 = arith.remsi %iota3A, %rem3A : vector<16xi32>
    %ne3A_19 = arith.constant 0 : i32
    %ne3A_20 = vector.broadcast %ne3A_19 : i32 to vector<16xi32>
    %ne3A_21 = arith.cmpi ne, %rem3A_18, %ne3A_20 : vector<16xi32>
    %and3A = arith.andi %ne3A_17, %ne3A_21 : vector<16xi1>
    %sub3A = arith.constant 1 : i32
    %sub3A_22 = vector.broadcast %sub3A : i32 to vector<16xi32>
    %sub3A_23 = arith.subi %div3A_1, %sub3A_22 : vector<16xi32>
    %select_n3A = arith.select %and3A, %sub3A_23, %div3A_1 : vector<16xi1>, vector<16xi32>
    %jit3A_24 = arith.constant 8 : i32
    %eq3A = arith.constant 0 : i32
    %eq3A_25 = arith.cmpi eq, %jit3A_24, %eq3A : i32
    %jit3A_26 = arith.constant 1 : i32
    %select_n3A_27 = arith.select %eq3A_25, %jit3A_26, %jit3A_24 : i32
    %rem3A_28 = vector.broadcast %select_n3A_27 : i32 to vector<16xi32>
    %rem3A_29 = arith.remsi %iota3A, %rem3A_28 : vector<16xi32>
    %ne3A_30 = arith.constant 0 : i32
    %ne3A_31 = vector.broadcast %ne3A_30 : i32 to vector<16xi32>
    %ne3A_32 = arith.cmpi ne, %rem3A_29, %ne3A_31 : vector<16xi32>
    %lt3A = arith.constant 0 : i32
    %lt3A_33 = vector.broadcast %lt3A : i32 to vector<16xi32>
    %lt3A_34 = arith.cmpi slt, %rem3A_29, %lt3A_33 : vector<16xi32>
    %lt3A_35 = arith.constant 0 : i32
    %lt3A_36 = arith.cmpi slt, %select_n3A_27, %lt3A_35 : i32
    %ne3A_37 = vector.broadcast %lt3A_36 : i1 to vector<16xi1>
    %ne3A_38 = vector.broadcast %ne3A_37 : vector<16xi1> to vector<16xi1>
    %ne3A_39 = arith.xori %lt3A_34, %ne3A_38 : vector<16xi1>
    %and3A_40 = arith.andi %ne3A_39, %ne3A_32 : vector<16xi1>
    %add3A_41 = vector.broadcast %select_n3A_27 : i32 to vector<16xi32>
    %add3A_42 = arith.addi %rem3A_29, %add3A_41 : vector<16xi32>
    %select_n3A_43 = arith.select %and3A_40, %add3A_42, %rem3A_29 : vector<16xi1>, vector<16xi32>
    %dma_start3A = arith.constant 0 : i32
    %dma_start3A_44 = arith.constant 0 : i32
    %dma_start3A_45 = arith.constant 0 : i32
    %dma_start3A_46 = arith.constant 0 : i32
    %dma_start3A_47 = tpu.memref_slice %arg6[%dma_start3A_44, %dma_start3A_45, %dma_start3A_46] : memref<2x128x64xf32, #tpu.memory_space<vmem>> -> memref<1x128x64xf32, #tpu.memory_space<vmem>>
    %dma_start3A_48 = tpu.memref_squeeze %dma_start3A_47 : memref<1x128x64xf32, #tpu.memory_space<vmem>> -> memref<128x64xf32, #tpu.memory_space<vmem>>
    %dma_start3A_49 = arith.constant 0 : i32
    %dma_start3A_50 = tpu.memref_slice %arg5[%dma_start3A, %dma_start3A_49] : memref<25x1024xi32, #tpu.memory_space<vmem>> -> memref<1x128xi32, #tpu.memory_space<vmem>>
    %dma_start3A_51 = tpu.memref_squeeze %dma_start3A_50 : memref<1x128xi32, #tpu.memory_space<vmem>> -> memref<128xi32, #tpu.memory_space<vmem>>
    %dma_start3A_52 = arith.constant 0 : i32
    %dma_start3A_53 = arith.constant 0 : i32
    %dma_start3A_54 = tpu.memref_slice %arg2[%dma_start3A_52, %dma_start3A_53] : memref<1000000x64xf32, #tpu.memory_space<hbm>> -> memref<1000000x64xf32, #tpu.memory_space<hbm>>
    tpu.enqueue_indirect_dma source(%dma_start3A_54 : memref<1000000x64xf32, #tpu.memory_space<hbm>>) target(%dma_start3A_48 : memref<128x64xf32, #tpu.memory_space<vmem>>) offsets(%dma_start3A_51 : memref<128xi32, #tpu.memory_space<vmem>>) semaphore(%arg8 : memref<!tpu.dma_semaphore, #tpu.memory_space<semaphore_mem>>)
    %scan3A = arith.constant 0 : i32
    %scan3A_55 = arith.constant 0 : i32
    %scan3A_56 = arith.constant 100 : i32
    %scan3A_57 = arith.addi %scan3A_55, %scan3A_56 : i32
    %scan3A_58 = arith.constant 1 : i32
    scf.for %scan3A_97 = %scan3A_55 to %scan3A_57 step %scan3A_58  : i32 {
      %mul3A_98 = arith.constant 2 : i32
      %mul3A_99 = arith.muli %mul3A_98, %scan3A_97 : i32
      %add3A_100 = arith.constant 0 : i32
      %add3A_101 = arith.addi %mul3A_99, %add3A_100 : i32
      %jit3A_102 = arith.constant 8 : i32
      %div3A_103 = arith.divsi %add3A_101, %jit3A_102 : i32
      %sign3A_104 = arith.constant 0 : i32
      %sign3A_105 = arith.cmpi sgt, %add3A_101, %sign3A_104 : i32
      %sign3A_106 = arith.extui %sign3A_105 : i1 to i32
      %sign3A_107 = arith.constant 0 : i32
      %sign3A_108 = arith.cmpi slt, %add3A_101, %sign3A_107 : i32
      %sign3A_109 = arith.extui %sign3A_108 : i1 to i32
      %sign3A_110 = arith.subi %sign3A_106, %sign3A_109 : i32
      %sign3A_111 = arith.constant 0 : i32
      %sign3A_112 = arith.cmpi sgt, %jit3A_102, %sign3A_111 : i32
      %sign3A_113 = arith.extui %sign3A_112 : i1 to i32
      %sign3A_114 = arith.constant 0 : i32
      %sign3A_115 = arith.cmpi slt, %jit3A_102, %sign3A_114 : i32
      %sign3A_116 = arith.extui %sign3A_115 : i1 to i32
      %sign3A_117 = arith.subi %sign3A_113, %sign3A_116 : i32
      %ne3A_118 = arith.cmpi ne, %sign3A_110, %sign3A_117 : i32
      %rem3A_119 = arith.remsi %add3A_101, %jit3A_102 : i32
      %ne3A_120 = arith.constant 0 : i32
      %ne3A_121 = arith.cmpi ne, %rem3A_119, %ne3A_120 : i32
      %and3A_122 = arith.andi %ne3A_118, %ne3A_121 : i1
      %sub3A_123 = arith.constant 1 : i32
      %sub3A_124 = arith.subi %div3A_103, %sub3A_123 : i32
      %select_n3A_125 = arith.select %and3A_122, %sub3A_124, %div3A_103 : i32
      %jit3A_126 = arith.constant 8 : i32
      %eq3A_127 = arith.constant 0 : i32
      %eq3A_128 = arith.cmpi eq, %jit3A_126, %eq3A_127 : i32
      %jit3A_129 = arith.constant 1 : i32
      %select_n3A_130 = arith.select %eq3A_128, %jit3A_129, %jit3A_126 : i32
      %rem3A_131 = arith.remsi %add3A_101, %select_n3A_130 : i32
      %ne3A_132 = arith.constant 0 : i32
      %ne3A_133 = arith.cmpi ne, %rem3A_131, %ne3A_132 : i32
      %lt3A_134 = arith.constant 0 : i32
      %lt3A_135 = arith.cmpi slt, %rem3A_131, %lt3A_134 : i32
      %lt3A_136 = arith.constant 0 : i32
      %lt3A_137 = arith.cmpi slt, %select_n3A_130, %lt3A_136 : i32
      %ne3A_138 = arith.xori %lt3A_135, %lt3A_137 : i1
      %and3A_139 = arith.andi %ne3A_138, %ne3A_133 : i1
      %add3A_140 = arith.addi %rem3A_131, %select_n3A_130 : i32
      %select_n3A_141 = arith.select %and3A_139, %add3A_140, %rem3A_131 : i32
      %mul3A_142 = arith.constant 128 : i32
      %mul3A_143 = arith.muli %select_n3A_141, %mul3A_142 : i32
      %dma_wait3A_144 = arith.constant 0 : i32
      %dma_wait3A_145 = arith.constant 0 : i32
      %dma_wait3A_146 = arith.constant 0 : i32
      %dma_wait3A_147 = tpu.memref_slice %arg6[%dma_wait3A_144, %dma_wait3A_145, %dma_wait3A_146] : memref<2x128x64xf32, #tpu.memory_space<vmem>> -> memref<1x128x64xf32, #tpu.memory_space<vmem>>
      %dma_wait3A_148 = tpu.memref_squeeze %dma_wait3A_147 : memref<1x128x64xf32, #tpu.memory_space<vmem>> -> memref<128x64xf32, #tpu.memory_space<vmem>>
      %dma_wait3A_149 = tpu.memref_slice %arg5[%select_n3A_125, %mul3A_143] : memref<25x1024xi32, #tpu.memory_space<vmem>> -> memref<1x128xi32, #tpu.memory_space<vmem>>
      %dma_wait3A_150 = tpu.memref_squeeze %dma_wait3A_149 : memref<1x128xi32, #tpu.memory_space<vmem>> -> memref<128xi32, #tpu.memory_space<vmem>>
      %dma_wait3A_151 = arith.constant 0 : i32
      %dma_wait3A_152 = arith.constant 0 : i32
      %dma_wait3A_153 = tpu.memref_slice %arg2[%dma_wait3A_151, %dma_wait3A_152] : memref<1000000x64xf32, #tpu.memory_space<hbm>> -> memref<1000000x64xf32, #tpu.memory_space<hbm>>
      tpu.wait_indirect_dma semaphore(%arg8 : memref<!tpu.dma_semaphore, #tpu.memory_space<semaphore_mem>>) src(%dma_wait3A_153 : memref<1000000x64xf32, #tpu.memory_space<hbm>>) dst(%dma_wait3A_148 : memref<128x64xf32, #tpu.memory_space<vmem>>)
      %add3A_154 = arith.constant 1 : i32
      %add3A_155 = arith.addi %add3A_101, %add3A_154 : i32
      %lt3A_156 = arith.constant 200 : i32
      %lt3A_157 = arith.cmpi slt, %add3A_155, %lt3A_156 : i32
      %convert_element_type3A = arith.extui %lt3A_157 : i1 to i32
      %cond3A = arith.constant 0 : i32
      %cond3A_158 = arith.cmpi ne, %convert_element_type3A, %cond3A : i32
      scf.if %cond3A_158 {
        %add3A_272 = arith.constant 1 : i32
        %add3A_273 = arith.addi %add3A_101, %add3A_272 : i32
        %jit3A_274 = arith.constant 8 : i32
        %div3A_275 = arith.divsi %add3A_273, %jit3A_274 : i32
        %sign3A_276 = arith.constant 0 : i32
        %sign3A_277 = arith.cmpi sgt, %add3A_273, %sign3A_276 : i32
        %sign3A_278 = arith.extui %sign3A_277 : i1 to i32
        %sign3A_279 = arith.constant 0 : i32
        %sign3A_280 = arith.cmpi slt, %add3A_273, %sign3A_279 : i32
        %sign3A_281 = arith.extui %sign3A_280 : i1 to i32
        %sign3A_282 = arith.subi %sign3A_278, %sign3A_281 : i32
        %sign3A_283 = arith.constant 0 : i32
        %sign3A_284 = arith.cmpi sgt, %jit3A_274, %sign3A_283 : i32
        %sign3A_285 = arith.extui %sign3A_284 : i1 to i32
        %sign3A_286 = arith.constant 0 : i32
        %sign3A_287 = arith.cmpi slt, %jit3A_274, %sign3A_286 : i32
        %sign3A_288 = arith.extui %sign3A_287 : i1 to i32
        %sign3A_289 = arith.subi %sign3A_285, %sign3A_288 : i32
        %ne3A_290 = arith.cmpi ne, %sign3A_282, %sign3A_289 : i32
        %rem3A_291 = arith.remsi %add3A_273, %jit3A_274 : i32
        %ne3A_292 = arith.constant 0 : i32
        %ne3A_293 = arith.cmpi ne, %rem3A_291, %ne3A_292 : i32
        %and3A_294 = arith.andi %ne3A_290, %ne3A_293 : i1
        %sub3A_295 = arith.constant 1 : i32
        %sub3A_296 = arith.subi %div3A_275, %sub3A_295 : i32
        %select_n3A_297 = arith.select %and3A_294, %sub3A_296, %div3A_275 : i32
        %jit3A_298 = arith.constant 8 : i32
        %eq3A_299 = arith.constant 0 : i32
        %eq3A_300 = arith.cmpi eq, %jit3A_298, %eq3A_299 : i32
        %jit3A_301 = arith.constant 1 : i32
        %select_n3A_302 = arith.select %eq3A_300, %jit3A_301, %jit3A_298 : i32
        %rem3A_303 = arith.remsi %add3A_273, %select_n3A_302 : i32
        %ne3A_304 = arith.constant 0 : i32
        %ne3A_305 = arith.cmpi ne, %rem3A_303, %ne3A_304 : i32
        %lt3A_306 = arith.constant 0 : i32
        %lt3A_307 = arith.cmpi slt, %rem3A_303, %lt3A_306 : i32
        %lt3A_308 = arith.constant 0 : i32
        %lt3A_309 = arith.cmpi slt, %select_n3A_302, %lt3A_308 : i32
        %ne3A_310 = arith.xori %lt3A_307, %lt3A_309 : i1
        %and3A_311 = arith.andi %ne3A_310, %ne3A_305 : i1
        %add3A_312 = arith.addi %rem3A_303, %select_n3A_302 : i32
        %select_n3A_313 = arith.select %and3A_311, %add3A_312, %rem3A_303 : i32
        %mul3A_314 = arith.constant 128 : i32
        %mul3A_315 = arith.muli %select_n3A_313, %mul3A_314 : i32
        %dma_start3A_316 = arith.constant 1 : i32
        %dma_start3A_317 = arith.constant 0 : i32
        %dma_start3A_318 = arith.constant 0 : i32
        %dma_start3A_319 = tpu.memref_slice %arg6[%dma_start3A_316, %dma_start3A_317, %dma_start3A_318] : memref<2x128x64xf32, #tpu.memory_space<vmem>> -> memref<1x128x64xf32, #tpu.memory_space<vmem>>
        %dma_start3A_320 = tpu.memref_squeeze %dma_start3A_319 : memref<1x128x64xf32, #tpu.memory_space<vmem>> -> memref<128x64xf32, #tpu.memory_space<vmem>>
        %dma_start3A_321 = tpu.memref_slice %arg5[%select_n3A_297, %mul3A_315] : memref<25x1024xi32, #tpu.memory_space<vmem>> -> memref<1x128xi32, #tpu.memory_space<vmem>>
        %dma_start3A_322 = tpu.memref_squeeze %dma_start3A_321 : memref<1x128xi32, #tpu.memory_space<vmem>> -> memref<128xi32, #tpu.memory_space<vmem>>
        %dma_start3A_323 = arith.constant 0 : i32
        %dma_start3A_324 = arith.constant 0 : i32
        %dma_start3A_325 = tpu.memref_slice %arg2[%dma_start3A_323, %dma_start3A_324] : memref<1000000x64xf32, #tpu.memory_space<hbm>> -> memref<1000000x64xf32, #tpu.memory_space<hbm>>
        tpu.enqueue_indirect_dma source(%dma_start3A_325 : memref<1000000x64xf32, #tpu.memory_space<hbm>>) target(%dma_start3A_320 : memref<128x64xf32, #tpu.memory_space<vmem>>) offsets(%dma_start3A_322 : memref<128xi32, #tpu.memory_space<vmem>>) semaphore(%arg9 : memref<!tpu.dma_semaphore, #tpu.memory_space<semaphore_mem>>)
      } else {
      }
      %ge3A = arith.constant 2 : i32
      %ge3A_159 = arith.cmpi sge, %add3A_101, %ge3A : i32
      %convert_element_type3A_160 = arith.extui %ge3A_159 : i1 to i32
      %cond3A_161 = arith.constant 0 : i32
      %cond3A_162 = arith.cmpi ne, %convert_element_type3A_160, %cond3A_161 : i32
      scf.if %cond3A_162 {
        %sub3A_272 = arith.constant 2 : i32
        %sub3A_273 = arith.subi %add3A_101, %sub3A_272 : i32
        %dma_wait3A_274 = arith.constant 0 : i32
        %dma_wait3A_275 = arith.constant 0 : i32
        %dma_wait3A_276 = arith.constant 0 : i32
        %dma_wait3A_277 = tpu.memref_slice %arg7[%dma_wait3A_274, %dma_wait3A_275, %dma_wait3A_276] : memref<16x8x129xf32, #tpu.memory_space<vmem>> -> memref<8x8x128xf32, #tpu.memory_space<vmem>>
        %dma_wait3A_278 = arith.constant 0 : i32
        %dma_wait3A_279 = arith.constant 0 : i32
        %dma_wait3A_280 = arith.constant 0 : i32
        %dma_wait3A_281 = tpu.memref_slice %arg4[%sub3A_273, %dma_wait3A_278, %add3A, %dma_wait3A_279, %dma_wait3A_280] : memref<200x8x32x8x128xf32, #tpu.memory_space<hbm>> -> memref<1x8x1x8x128xf32, #tpu.memory_space<hbm>>
        %dma_wait3A_282 = tpu.memref_squeeze %dma_wait3A_281 : memref<1x8x1x8x128xf32, #tpu.memory_space<hbm>> -> memref<8x8x128xf32, #tpu.memory_space<hbm>>
        %dma_wait3A_283 = arith.constant 0 : i32
        %dma_wait3A_284 = arith.constant 0 : i32
        %dma_wait3A_285 = arith.constant 0 : i32
        %dma_wait3A_286 = tpu.memref_slice %arg4[%sub3A_273, %dma_wait3A_283, %add3A, %dma_wait3A_284, %dma_wait3A_285] : memref<200x8x32x8x128xf32, #tpu.memory_space<hbm>> -> memref<1x8x1x8x128xf32, #tpu.memory_space<hbm>>
        %dma_wait3A_287 = tpu.memref_squeeze %dma_wait3A_286 : memref<1x8x1x8x128xf32, #tpu.memory_space<hbm>> -> memref<8x8x128xf32, #tpu.memory_space<hbm>>
        %dma_wait3A_288 = arith.constant 0 : i32
        %dma_wait3A_289 = arith.constant 0 : i32
        %dma_wait3A_290 = arith.constant 0 : i32
        %dma_wait3A_291 = tpu.memref_slice %arg7[%dma_wait3A_288, %dma_wait3A_289, %dma_wait3A_290] : memref<16x8x129xf32, #tpu.memory_space<vmem>> -> memref<8x8x128xf32, #tpu.memory_space<vmem>>
        tpu.wait_dma2 semaphore(%arg10 : memref<!tpu.dma_semaphore, #tpu.memory_space<semaphore_mem>>) src(%dma_wait3A_291 : memref<8x8x128xf32, #tpu.memory_space<vmem>>) dst(%dma_wait3A_287 : memref<8x8x128xf32, #tpu.memory_space<hbm>>)
      } else {
      }
      %parallel_loop3A = arith.constant 0 : i32
      %parallel_loop3A_163 = arith.constant 128 : i32
      %parallel_loop3A_164 = arith.constant 1 : i32
      scf.for %parallel_loop3A_272 = %parallel_loop3A to %parallel_loop3A_163 step %parallel_loop3A_164  : i32 {
        %parallel_loop3A_273 = vector.broadcast %parallel_loop3A_272 : i32 to vector<16xi32>
        %parallel_loop3A_274 = arith.constant 0 : i32
        %parallel_loop3A_275 = arith.index_cast %parallel_loop3A_274 : i32 to index
        %parallel_loop3A_276 = arith.index_cast %parallel_loop3A_272 : i32 to index
        %parallel_loop3A_277 = arith.constant 0 : index
        %parallel_loop3A_278 = tpu.vector_load %arg6[%parallel_loop3A_275, %parallel_loop3A_276, %parallel_loop3A_277] {strides = array<i32>} : memref<2x128x64xf32, #tpu.memory_space<vmem>>, vector<16xf32>,
        %parallel_loop3A_279 = arith.constant 8.000000e+00 : f32
        %parallel_loop3A_280 = vector.broadcast %parallel_loop3A_279 : f32 to vector<16xf32>
        %parallel_loop3A_281 = arith.mulf %parallel_loop3A_278, %parallel_loop3A_280 : vector<16xf32>
        %parallel_loop3A_282 = arith.constant 0 : i32
        %parallel_loop3A_283 = vector.broadcast %parallel_loop3A_282 : i32 to vector<16xi32>
        %parallel_loop3A_284 = arith.addi %select_n3A, %parallel_loop3A_283 : vector<16xi32>
        tpu.vector_store_idx %arg7[%parallel_loop3A_284, %select_n3A_43, %parallel_loop3A_273], %parallel_loop3A_281 : memref<16x8x129xf32, #tpu.memory_space<vmem>>[vector<16xi32>, vector<16xi32>, vector<16xi32>], vector<16xf32>,
        %parallel_loop3A_285 = arith.constant 0 : i32
        %parallel_loop3A_286 = arith.index_cast %parallel_loop3A_285 : i32 to index
        %parallel_loop3A_287 = arith.index_cast %parallel_loop3A_272 : i32 to index
        %parallel_loop3A_288 = arith.constant 16 : index
        %parallel_loop3A_289 = tpu.vector_load %arg6[%parallel_loop3A_286, %parallel_loop3A_287, %parallel_loop3A_288] {strides = array<i32>} : memref<2x128x64xf32, #tpu.memory_space<vmem>>, vector<16xf32>,
        %parallel_loop3A_290 = arith.constant 8.000000e+00 : f32
        %parallel_loop3A_291 = vector.broadcast %parallel_loop3A_290 : f32 to vector<16xf32>
        %parallel_loop3A_292 = arith.mulf %parallel_loop3A_289, %parallel_loop3A_291 : vector<16xf32>
        %parallel_loop3A_293 = arith.constant 2 : i32
        %parallel_loop3A_294 = vector.broadcast %parallel_loop3A_293 : i32 to vector<16xi32>
        %parallel_loop3A_295 = arith.addi %select_n3A, %parallel_loop3A_294 : vector<16xi32>
        tpu.vector_store_idx %arg7[%parallel_loop3A_295, %select_n3A_43, %parallel_loop3A_273], %parallel_loop3A_292 : memref<16x8x129xf32, #tpu.memory_space<vmem>>[vector<16xi32>, vector<16xi32>, vector<16xi32>], vector<16xf32>,
        %parallel_loop3A_296 = arith.constant 0 : i32
        %parallel_loop3A_297 = arith.index_cast %parallel_loop3A_296 : i32 to index
        %parallel_loop3A_298 = arith.index_cast %parallel_loop3A_272 : i32 to index
        %parallel_loop3A_299 = arith.constant 32 : index
        %parallel_loop3A_300 = tpu.vector_load %arg6[%parallel_loop3A_297, %parallel_loop3A_298, %parallel_loop3A_299] {strides = array<i32>} : memref<2x128x64xf32, #tpu.memory_space<vmem>>, vector<16xf32>,
        %parallel_loop3A_301 = arith.constant 8.000000e+00 : f32
        %parallel_loop3A_302 = vector.broadcast %parallel_loop3A_301 : f32 to vector<16xf32>
        %parallel_loop3A_303 = arith.mulf %parallel_loop3A_300, %parallel_loop3A_302 : vector<16xf32>
        %parallel_loop3A_304 = arith.constant 4 : i32
        %parallel_loop3A_305 = vector.broadcast %parallel_loop3A_304 : i32 to vector<16xi32>
        %parallel_loop3A_306 = arith.addi %select_n3A, %parallel_loop3A_305 : vector<16xi32>
        tpu.vector_store_idx %arg7[%parallel_loop3A_306, %select_n3A_43, %parallel_loop3A_273], %parallel_loop3A_303 : memref<16x8x129xf32, #tpu.memory_space<vmem>>[vector<16xi32>, vector<16xi32>, vector<16xi32>], vector<16xf32>,
        %parallel_loop3A_307 = arith.constant 0 : i32
        %parallel_loop3A_308 = arith.index_cast %parallel_loop3A_307 : i32 to index
        %parallel_loop3A_309 = arith.index_cast %parallel_loop3A_272 : i32 to index
        %parallel_loop3A_310 = arith.constant 48 : index
        %parallel_loop3A_311 = tpu.vector_load %arg6[%parallel_loop3A_308, %parallel_loop3A_309, %parallel_loop3A_310] {strides = array<i32>} : memref<2x128x64xf32, #tpu.memory_space<vmem>>, vector<16xf32>,
        %parallel_loop3A_312 = arith.constant 8.000000e+00 : f32
        %parallel_loop3A_313 = vector.broadcast %parallel_loop3A_312 : f32 to vector<16xf32>
        %parallel_loop3A_314 = arith.mulf %parallel_loop3A_311, %parallel_loop3A_313 : vector<16xf32>
        %parallel_loop3A_315 = arith.constant 6 : i32
        %parallel_loop3A_316 = vector.broadcast %parallel_loop3A_315 : i32 to vector<16xi32>
        %parallel_loop3A_317 = arith.addi %select_n3A, %parallel_loop3A_316 : vector<16xi32>
        tpu.vector_store_idx %arg7[%parallel_loop3A_317, %select_n3A_43, %parallel_loop3A_273], %parallel_loop3A_314 : memref<16x8x129xf32, #tpu.memory_space<vmem>>[vector<16xi32>, vector<16xi32>, vector<16xi32>], vector<16xf32>,
      } {sc.loop_unroll_factor = 8 : i64, sc.parallel_access}
      %dma_start3A_165 = arith.constant 0 : i32
      %dma_start3A_166 = arith.constant 0 : i32
      %dma_start3A_167 = arith.constant 0 : i32
      %dma_start3A_168 = tpu.memref_slice %arg7[%dma_start3A_165, %dma_start3A_166, %dma_start3A_167] : memref<16x8x129xf32, #tpu.memory_space<vmem>> -> memref<8x8x128xf32, #tpu.memory_space<vmem>>
      %dma_start3A_169 = arith.constant 0 : i32
      %dma_start3A_170 = arith.constant 0 : i32
      %dma_start3A_171 = arith.constant 0 : i32
      %dma_start3A_172 = tpu.memref_slice %arg4[%add3A_101, %dma_start3A_169, %add3A, %dma_start3A_170, %dma_start3A_171] : memref<200x8x32x8x128xf32, #tpu.memory_space<hbm>> -> memref<1x8x1x8x128xf32, #tpu.memory_space<hbm>>
      %dma_start3A_173 = tpu.memref_squeeze %dma_start3A_172 : memref<1x8x1x8x128xf32, #tpu.memory_space<hbm>> -> memref<8x8x128xf32, #tpu.memory_space<hbm>>
      %dma_start3A_174 = arith.constant 0 : i32
      %dma_start3A_175 = arith.constant 0 : i32
      %dma_start3A_176 = arith.constant 0 : i32
      %dma_start3A_177 = tpu.memref_slice %arg4[%add3A_101, %dma_start3A_174, %add3A, %dma_start3A_175, %dma_start3A_176] : memref<200x8x32x8x128xf32, #tpu.memory_space<hbm>> -> memref<1x8x1x8x128xf32, #tpu.memory_space<hbm>>
      %dma_start3A_178 = tpu.memref_squeeze %dma_start3A_177 : memref<1x8x1x8x128xf32, #tpu.memory_space<hbm>> -> memref<8x8x128xf32, #tpu.memory_space<hbm>>
      %dma_start3A_179 = arith.constant 0 : i32
      %dma_start3A_180 = arith.constant 0 : i32
      %dma_start3A_181 = arith.constant 0 : i32
      %dma_start3A_182 = tpu.memref_slice %arg7[%dma_start3A_179, %dma_start3A_180, %dma_start3A_181] : memref<16x8x129xf32, #tpu.memory_space<vmem>> -> memref<8x8x128xf32, #tpu.memory_space<vmem>>
      tpu.enqueue_dma source(%dma_start3A_182 : memref<8x8x128xf32, #tpu.memory_space<vmem>>) target(%dma_start3A_178 : memref<8x8x128xf32, #tpu.memory_space<hbm>>) target_semaphore(%arg10 : memref<!tpu.dma_semaphore, #tpu.memory_space<semaphore_mem>>)
      %mul3A_183 = arith.constant 2 : i32
      %mul3A_184 = arith.muli %mul3A_183, %scan3A_97 : i32
      %add3A_185 = arith.constant 1 : i32
      %add3A_186 = arith.addi %mul3A_184, %add3A_185 : i32
      %jit3A_187 = arith.constant 8 : i32
      %div3A_188 = arith.divsi %add3A_186, %jit3A_187 : i32
      %sign3A_189 = arith.constant 0 : i32
      %sign3A_190 = arith.cmpi sgt, %add3A_186, %sign3A_189 : i32
      %sign3A_191 = arith.extui %sign3A_190 : i1 to i32
      %sign3A_192 = arith.constant 0 : i32
      %sign3A_193 = arith.cmpi slt, %add3A_186, %sign3A_192 : i32
      %sign3A_194 = arith.extui %sign3A_193 : i1 to i32
      %sign3A_195 = arith.subi %sign3A_191, %sign3A_194 : i32
      %sign3A_196 = arith.constant 0 : i32
      %sign3A_197 = arith.cmpi sgt, %jit3A_187, %sign3A_196 : i32
      %sign3A_198 = arith.extui %sign3A_197 : i1 to i32
      %sign3A_199 = arith.constant 0 : i32
      %sign3A_200 = arith.cmpi slt, %jit3A_187, %sign3A_199 : i32
      %sign3A_201 = arith.extui %sign3A_200 : i1 to i32
      %sign3A_202 = arith.subi %sign3A_198, %sign3A_201 : i32
      %ne3A_203 = arith.cmpi ne, %sign3A_195, %sign3A_202 : i32
      %rem3A_204 = arith.remsi %add3A_186, %jit3A_187 : i32
      %ne3A_205 = arith.constant 0 : i32
      %ne3A_206 = arith.cmpi ne, %rem3A_204, %ne3A_205 : i32
      %and3A_207 = arith.andi %ne3A_203, %ne3A_206 : i1
      %sub3A_208 = arith.constant 1 : i32
      %sub3A_209 = arith.subi %div3A_188, %sub3A_208 : i32
      %select_n3A_210 = arith.select %and3A_207, %sub3A_209, %div3A_188 : i32
      %jit3A_211 = arith.constant 8 : i32
      %eq3A_212 = arith.constant 0 : i32
      %eq3A_213 = arith.cmpi eq, %jit3A_211, %eq3A_212 : i32
      %jit3A_214 = arith.constant 1 : i32
      %select_n3A_215 = arith.select %eq3A_213, %jit3A_214, %jit3A_211 : i32
      %rem3A_216 = arith.remsi %add3A_186, %select_n3A_215 : i32
      %ne3A_217 = arith.constant 0 : i32
      %ne3A_218 = arith.cmpi ne, %rem3A_216, %ne3A_217 : i32
      %lt3A_219 = arith.constant 0 : i32
      %lt3A_220 = arith.cmpi slt, %rem3A_216, %lt3A_219 : i32
      %lt3A_221 = arith.constant 0 : i32
      %lt3A_222 = arith.cmpi slt, %select_n3A_215, %lt3A_221 : i32
      %ne3A_223 = arith.xori %lt3A_220, %lt3A_222 : i1
      %and3A_224 = arith.andi %ne3A_223, %ne3A_218 : i1
      %add3A_225 = arith.addi %rem3A_216, %select_n3A_215 : i32
      %select_n3A_226 = arith.select %and3A_224, %add3A_225, %rem3A_216 : i32
      %mul3A_227 = arith.constant 128 : i32
      %mul3A_228 = arith.muli %select_n3A_226, %mul3A_227 : i32
      %dma_wait3A_229 = arith.constant 1 : i32
      %dma_wait3A_230 = arith.constant 0 : i32
      %dma_wait3A_231 = arith.constant 0 : i32
      %dma_wait3A_232 = tpu.memref_slice %arg6[%dma_wait3A_229, %dma_wait3A_230, %dma_wait3A_231] : memref<2x128x64xf32, #tpu.memory_space<vmem>> -> memref<1x128x64xf32, #tpu.memory_space<vmem>>
      %dma_wait3A_233 = tpu.memref_squeeze %dma_wait3A_232 : memref<1x128x64xf32, #tpu.memory_space<vmem>> -> memref<128x64xf32, #tpu.memory_space<vmem>>
      %dma_wait3A_234 = tpu.memref_slice %arg5[%select_n3A_210, %mul3A_228] : memref<25x1024xi32, #tpu.memory_space<vmem>> -> memref<1x128xi32, #tpu.memory_space<vmem>>
      %dma_wait3A_235 = tpu.memref_squeeze %dma_wait3A_234 : memref<1x128xi32, #tpu.memory_space<vmem>> -> memref<128xi32, #tpu.memory_space<vmem>>
      %dma_wait3A_236 = arith.constant 0 : i32
      %dma_wait3A_237 = arith.constant 0 : i32
      %dma_wait3A_238 = tpu.memref_slice %arg2[%dma_wait3A_236, %dma_wait3A_237] : memref<1000000x64xf32, #tpu.memory_space<hbm>> -> memref<1000000x64xf32, #tpu.memory_space<hbm>>
      tpu.wait_indirect_dma semaphore(%arg9 : memref<!tpu.dma_semaphore, #tpu.memory_space<semaphore_mem>>) src(%dma_wait3A_238 : memref<1000000x64xf32, #tpu.memory_space<hbm>>) dst(%dma_wait3A_233 : memref<128x64xf32, #tpu.memory_space<vmem>>)
      %add3A_239 = arith.constant 1 : i32
      %add3A_240 = arith.addi %add3A_186, %add3A_239 : i32
      %lt3A_241 = arith.constant 200 : i32
      %lt3A_242 = arith.cmpi slt, %add3A_240, %lt3A_241 : i32
      %convert_element_type3A_243 = arith.extui %lt3A_242 : i1 to i32
      %cond3A_244 = arith.constant 0 : i32
      %cond3A_245 = arith.cmpi ne, %convert_element_type3A_243, %cond3A_244 : i32
      scf.if %cond3A_245 {
        %add3A_272 = arith.constant 1 : i32
        %add3A_273 = arith.addi %add3A_186, %add3A_272 : i32
        %jit3A_274 = arith.constant 8 : i32
        %div3A_275 = arith.divsi %add3A_273, %jit3A_274 : i32
        %sign3A_276 = arith.constant 0 : i32
        %sign3A_277 = arith.cmpi sgt, %add3A_273, %sign3A_276 : i32
        %sign3A_278 = arith.extui %sign3A_277 : i1 to i32
        %sign3A_279 = arith.constant 0 : i32
        %sign3A_280 = arith.cmpi slt, %add3A_273, %sign3A_279 : i32
        %sign3A_281 = arith.extui %sign3A_280 : i1 to i32
        %sign3A_282 = arith.subi %sign3A_278, %sign3A_281 : i32
        %sign3A_283 = arith.constant 0 : i32
        %sign3A_284 = arith.cmpi sgt, %jit3A_274, %sign3A_283 : i32
        %sign3A_285 = arith.extui %sign3A_284 : i1 to i32
        %sign3A_286 = arith.constant 0 : i32
        %sign3A_287 = arith.cmpi slt, %jit3A_274, %sign3A_286 : i32
        %sign3A_288 = arith.extui %sign3A_287 : i1 to i32
        %sign3A_289 = arith.subi %sign3A_285, %sign3A_288 : i32
        %ne3A_290 = arith.cmpi ne, %sign3A_282, %sign3A_289 : i32
        %rem3A_291 = arith.remsi %add3A_273, %jit3A_274 : i32
        %ne3A_292 = arith.constant 0 : i32
        %ne3A_293 = arith.cmpi ne, %rem3A_291, %ne3A_292 : i32
        %and3A_294 = arith.andi %ne3A_290, %ne3A_293 : i1
        %sub3A_295 = arith.constant 1 : i32
        %sub3A_296 = arith.subi %div3A_275, %sub3A_295 : i32
        %select_n3A_297 = arith.select %and3A_294, %sub3A_296, %div3A_275 : i32
        %jit3A_298 = arith.constant 8 : i32
        %eq3A_299 = arith.constant 0 : i32
        %eq3A_300 = arith.cmpi eq, %jit3A_298, %eq3A_299 : i32
        %jit3A_301 = arith.constant 1 : i32
        %select_n3A_302 = arith.select %eq3A_300, %jit3A_301, %jit3A_298 : i32
        %rem3A_303 = arith.remsi %add3A_273, %select_n3A_302 : i32
        %ne3A_304 = arith.constant 0 : i32
        %ne3A_305 = arith.cmpi ne, %rem3A_303, %ne3A_304 : i32
        %lt3A_306 = arith.constant 0 : i32
        %lt3A_307 = arith.cmpi slt, %rem3A_303, %lt3A_306 : i32
        %lt3A_308 = arith.constant 0 : i32
        %lt3A_309 = arith.cmpi slt, %select_n3A_302, %lt3A_308 : i32
        %ne3A_310 = arith.xori %lt3A_307, %lt3A_309 : i1
        %and3A_311 = arith.andi %ne3A_310, %ne3A_305 : i1
        %add3A_312 = arith.addi %rem3A_303, %select_n3A_302 : i32
        %select_n3A_313 = arith.select %and3A_311, %add3A_312, %rem3A_303 : i32
        %mul3A_314 = arith.constant 128 : i32
        %mul3A_315 = arith.muli %select_n3A_313, %mul3A_314 : i32
        %dma_start3A_316 = arith.constant 0 : i32
        %dma_start3A_317 = arith.constant 0 : i32
        %dma_start3A_318 = arith.constant 0 : i32
        %dma_start3A_319 = tpu.memref_slice %arg6[%dma_start3A_316, %dma_start3A_317, %dma_start3A_318] : memref<2x128x64xf32, #tpu.memory_space<vmem>> -> memref<1x128x64xf32, #tpu.memory_space<vmem>>
        %dma_start3A_320 = tpu.memref_squeeze %dma_start3A_319 : memref<1x128x64xf32, #tpu.memory_space<vmem>> -> memref<128x64xf32, #tpu.memory_space<vmem>>
        %dma_start3A_321 = tpu.memref_slice %arg5[%select_n3A_297, %mul3A_315] : memref<25x1024xi32, #tpu.memory_space<vmem>> -> memref<1x128xi32, #tpu.memory_space<vmem>>
        %dma_start3A_322 = tpu.memref_squeeze %dma_start3A_321 : memref<1x128xi32, #tpu.memory_space<vmem>> -> memref<128xi32, #tpu.memory_space<vmem>>
        %dma_start3A_323 = arith.constant 0 : i32
        %dma_start3A_324 = arith.constant 0 : i32
        %dma_start3A_325 = tpu.memref_slice %arg2[%dma_start3A_323, %dma_start3A_324] : memref<1000000x64xf32, #tpu.memory_space<hbm>> -> memref<1000000x64xf32, #tpu.memory_space<hbm>>
        tpu.enqueue_indirect_dma source(%dma_start3A_325 : memref<1000000x64xf32, #tpu.memory_space<hbm>>) target(%dma_start3A_320 : memref<128x64xf32, #tpu.memory_space<vmem>>) offsets(%dma_start3A_322 : memref<128xi32, #tpu.memory_space<vmem>>) semaphore(%arg8 : memref<!tpu.dma_semaphore, #tpu.memory_space<semaphore_mem>>)
      } else {
      }
      %ge3A_246 = arith.constant 2 : i32
      %ge3A_247 = arith.cmpi sge, %add3A_186, %ge3A_246 : i32
      %convert_element_type3A_248 = arith.extui %ge3A_247 : i1 to i32
      %cond3A_249 = arith.constant 0 : i32
      %cond3A_250 = arith.cmpi ne, %convert_element_type3A_248, %cond3A_249 : i32
      scf.if %cond3A_250 {
        %sub3A_272 = arith.constant 2 : i32
        %sub3A_273 = arith.subi %add3A_186, %sub3A_272 : i32
        %dma_wait3A_274 = arith.constant 8 : i32
        %dma_wait3A_275 = arith.constant 0 : i32
        %dma_wait3A_276 = arith.constant 0 : i32
        %dma_wait3A_277 = tpu.memref_slice %arg7[%dma_wait3A_274, %dma_wait3A_275, %dma_wait3A_276] : memref<16x8x129xf32, #tpu.memory_space<vmem>> -> memref<8x8x128xf32, #tpu.memory_space<vmem>>
        %dma_wait3A_278 = arith.constant 0 : i32
        %dma_wait3A_279 = arith.constant 0 : i32
        %dma_wait3A_280 = arith.constant 0 : i32
        %dma_wait3A_281 = tpu.memref_slice %arg4[%sub3A_273, %dma_wait3A_278, %add3A, %dma_wait3A_279, %dma_wait3A_280] : memref<200x8x32x8x128xf32, #tpu.memory_space<hbm>> -> memref<1x8x1x8x128xf32, #tpu.memory_space<hbm>>
        %dma_wait3A_282 = tpu.memref_squeeze %dma_wait3A_281 : memref<1x8x1x8x128xf32, #tpu.memory_space<hbm>> -> memref<8x8x128xf32, #tpu.memory_space<hbm>>
        %dma_wait3A_283 = arith.constant 0 : i32
        %dma_wait3A_284 = arith.constant 0 : i32
        %dma_wait3A_285 = arith.constant 0 : i32
        %dma_wait3A_286 = tpu.memref_slice %arg4[%sub3A_273, %dma_wait3A_283, %add3A, %dma_wait3A_284, %dma_wait3A_285] : memref<200x8x32x8x128xf32, #tpu.memory_space<hbm>> -> memref<1x8x1x8x128xf32, #tpu.memory_space<hbm>>
        %dma_wait3A_287 = tpu.memref_squeeze %dma_wait3A_286 : memref<1x8x1x8x128xf32, #tpu.memory_space<hbm>> -> memref<8x8x128xf32, #tpu.memory_space<hbm>>
        %dma_wait3A_288 = arith.constant 8 : i32
        %dma_wait3A_289 = arith.constant 0 : i32
        %dma_wait3A_290 = arith.constant 0 : i32
        %dma_wait3A_291 = tpu.memref_slice %arg7[%dma_wait3A_288, %dma_wait3A_289, %dma_wait3A_290] : memref<16x8x129xf32, #tpu.memory_space<vmem>> -> memref<8x8x128xf32, #tpu.memory_space<vmem>>
        tpu.wait_dma2 semaphore(%arg11 : memref<!tpu.dma_semaphore, #tpu.memory_space<semaphore_mem>>) src(%dma_wait3A_291 : memref<8x8x128xf32, #tpu.memory_space<vmem>>) dst(%dma_wait3A_287 : memref<8x8x128xf32, #tpu.memory_space<hbm>>)
      } else {
      }
      %parallel_loop3A_251 = arith.constant 0 : i32
      %parallel_loop3A_252 = arith.constant 128 : i32
      %parallel_loop3A_253 = arith.constant 1 : i32
      scf.for %parallel_loop3A_272 = %parallel_loop3A_251 to %parallel_loop3A_252 step %parallel_loop3A_253  : i32 {
        %parallel_loop3A_273 = vector.broadcast %parallel_loop3A_272 : i32 to vector<16xi32>
        %parallel_loop3A_274 = arith.constant 1 : i32
        %parallel_loop3A_275 = arith.index_cast %parallel_loop3A_274 : i32 to index
        %parallel_loop3A_276 = arith.index_cast %parallel_loop3A_272 : i32 to index
        %parallel_loop3A_277 = arith.constant 0 : index
        %parallel_loop3A_278 = tpu.vector_load %arg6[%parallel_loop3A_275, %parallel_loop3A_276, %parallel_loop3A_277] {strides = array<i32>} : memref<2x128x64xf32, #tpu.memory_space<vmem>>, vector<16xf32>,
        %parallel_loop3A_279 = arith.constant 8.000000e+00 : f32
        %parallel_loop3A_280 = vector.broadcast %parallel_loop3A_279 : f32 to vector<16xf32>
        %parallel_loop3A_281 = arith.mulf %parallel_loop3A_278, %parallel_loop3A_280 : vector<16xf32>
        %parallel_loop3A_282 = arith.constant 8 : i32
        %parallel_loop3A_283 = vector.broadcast %parallel_loop3A_282 : i32 to vector<16xi32>
        %parallel_loop3A_284 = arith.addi %select_n3A, %parallel_loop3A_283 : vector<16xi32>
        tpu.vector_store_idx %arg7[%parallel_loop3A_284, %select_n3A_43, %parallel_loop3A_273], %parallel_loop3A_281 : memref<16x8x129xf32, #tpu.memory_space<vmem>>[vector<16xi32>, vector<16xi32>, vector<16xi32>], vector<16xf32>,
        %parallel_loop3A_285 = arith.constant 1 : i32
        %parallel_loop3A_286 = arith.index_cast %parallel_loop3A_285 : i32 to index
        %parallel_loop3A_287 = arith.index_cast %parallel_loop3A_272 : i32 to index
        %parallel_loop3A_288 = arith.constant 16 : index
        %parallel_loop3A_289 = tpu.vector_load %arg6[%parallel_loop3A_286, %parallel_loop3A_287, %parallel_loop3A_288] {strides = array<i32>} : memref<2x128x64xf32, #tpu.memory_space<vmem>>, vector<16xf32>,
        %parallel_loop3A_290 = arith.constant 8.000000e+00 : f32
        %parallel_loop3A_291 = vector.broadcast %parallel_loop3A_290 : f32 to vector<16xf32>
        %parallel_loop3A_292 = arith.mulf %parallel_loop3A_289, %parallel_loop3A_291 : vector<16xf32>
        %parallel_loop3A_293 = arith.constant 10 : i32
        %parallel_loop3A_294 = vector.broadcast %parallel_loop3A_293 : i32 to vector<16xi32>
        %parallel_loop3A_295 = arith.addi %select_n3A, %parallel_loop3A_294 : vector<16xi32>
        tpu.vector_store_idx %arg7[%parallel_loop3A_295, %select_n3A_43, %parallel_loop3A_273], %parallel_loop3A_292 : memref<16x8x129xf32, #tpu.memory_space<vmem>>[vector<16xi32>, vector<16xi32>, vector<16xi32>], vector<16xf32>,
        %parallel_loop3A_296 = arith.constant 1 : i32
        %parallel_loop3A_297 = arith.index_cast %parallel_loop3A_296 : i32 to index
        %parallel_loop3A_298 = arith.index_cast %parallel_loop3A_272 : i32 to index
        %parallel_loop3A_299 = arith.constant 32 : index
        %parallel_loop3A_300 = tpu.vector_load %arg6[%parallel_loop3A_297, %parallel_loop3A_298, %parallel_loop3A_299] {strides = array<i32>} : memref<2x128x64xf32, #tpu.memory_space<vmem>>, vector<16xf32>,
        %parallel_loop3A_301 = arith.constant 8.000000e+00 : f32
        %parallel_loop3A_302 = vector.broadcast %parallel_loop3A_301 : f32 to vector<16xf32>
        %parallel_loop3A_303 = arith.mulf %parallel_loop3A_300, %parallel_loop3A_302 : vector<16xf32>
        %parallel_loop3A_304 = arith.constant 12 : i32
        %parallel_loop3A_305 = vector.broadcast %parallel_loop3A_304 : i32 to vector<16xi32>
        %parallel_loop3A_306 = arith.addi %select_n3A, %parallel_loop3A_305 : vector<16xi32>
        tpu.vector_store_idx %arg7[%parallel_loop3A_306, %select_n3A_43, %parallel_loop3A_273], %parallel_loop3A_303 : memref<16x8x129xf32, #tpu.memory_space<vmem>>[vector<16xi32>, vector<16xi32>, vector<16xi32>], vector<16xf32>,
        %parallel_loop3A_307 = arith.constant 1 : i32
        %parallel_loop3A_308 = arith.index_cast %parallel_loop3A_307 : i32 to index
        %parallel_loop3A_309 = arith.index_cast %parallel_loop3A_272 : i32 to index
        %parallel_loop3A_310 = arith.constant 48 : index
        %parallel_loop3A_311 = tpu.vector_load %arg6[%parallel_loop3A_308, %parallel_loop3A_309, %parallel_loop3A_310] {strides = array<i32>} : memref<2x128x64xf32, #tpu.memory_space<vmem>>, vector<16xf32>,
        %parallel_loop3A_312 = arith.constant 8.000000e+00 : f32
        %parallel_loop3A_313 = vector.broadcast %parallel_loop3A_312 : f32 to vector<16xf32>
        %parallel_loop3A_314 = arith.mulf %parallel_loop3A_311, %parallel_loop3A_313 : vector<16xf32>
        %parallel_loop3A_315 = arith.constant 14 : i32
        %parallel_loop3A_316 = vector.broadcast %parallel_loop3A_315 : i32 to vector<16xi32>
        %parallel_loop3A_317 = arith.addi %select_n3A, %parallel_loop3A_316 : vector<16xi32>
        tpu.vector_store_idx %arg7[%parallel_loop3A_317, %select_n3A_43, %parallel_loop3A_273], %parallel_loop3A_314 : memref<16x8x129xf32, #tpu.memory_space<vmem>>[vector<16xi32>, vector<16xi32>, vector<16xi32>], vector<16xf32>,
      } {sc.loop_unroll_factor = 8 : i64, sc.parallel_access}
      %dma_start3A_254 = arith.constant 8 : i32
      %dma_start3A_255 = arith.constant 0 : i32
      %dma_start3A_256 = arith.constant 0 : i32
      %dma_start3A_257 = tpu.memref_slice %arg7[%dma_start3A_254, %dma_start3A_255, %dma_start3A_256] : memref<16x8x129xf32, #tpu.memory_space<vmem>> -> memref<8x8x128xf32, #tpu.memory_space<vmem>>
      %dma_start3A_258 = arith.constant 0 : i32
      %dma_start3A_259 = arith.constant 0 : i32
      %dma_start3A_260 = arith.constant 0 : i32
      %dma_start3A_261 = tpu.memref_slice %arg4[%add3A_186, %dma_start3A_258, %add3A, %dma_start3A_259, %dma_start3A_260] : memref<200x8x32x8x128xf32, #tpu.memory_space<hbm>> -> memref<1x8x1x8x128xf32, #tpu.memory_space<hbm>>
      %dma_start3A_262 = tpu.memref_squeeze %dma_start3A_261 : memref<1x8x1x8x128xf32, #tpu.memory_space<hbm>> -> memref<8x8x128xf32, #tpu.memory_space<hbm>>
      %dma_start3A_263 = arith.constant 0 : i32
      %dma_start3A_264 = arith.constant 0 : i32
      %dma_start3A_265 = arith.constant 0 : i32
      %dma_start3A_266 = tpu.memref_slice %arg4[%add3A_186, %dma_start3A_263, %add3A, %dma_start3A_264, %dma_start3A_265] : memref<200x8x32x8x128xf32, #tpu.memory_space<hbm>> -> memref<1x8x1x8x128xf32, #tpu.memory_space<hbm>>
      %dma_start3A_267 = tpu.memref_squeeze %dma_start3A_266 : memref<1x8x1x8x128xf32, #tpu.memory_space<hbm>> -> memref<8x8x128xf32, #tpu.memory_space<hbm>>
      %dma_start3A_268 = arith.constant 8 : i32
      %dma_start3A_269 = arith.constant 0 : i32
      %dma_start3A_270 = arith.constant 0 : i32
      %dma_start3A_271 = tpu.memref_slice %arg7[%dma_start3A_268, %dma_start3A_269, %dma_start3A_270] : memref<16x8x129xf32, #tpu.memory_space<vmem>> -> memref<8x8x128xf32, #tpu.memory_space<vmem>>
      tpu.enqueue_dma source(%dma_start3A_271 : memref<8x8x128xf32, #tpu.memory_space<vmem>>) target(%dma_start3A_267 : memref<8x8x128xf32, #tpu.memory_space<hbm>>) target_semaphore(%arg11 : memref<!tpu.dma_semaphore, #tpu.memory_space<semaphore_mem>>)
    }
    %scan3A_59 = arith.constant 100 : i32
    %dma_wait3A = arith.constant 198 : i32
    %dma_wait3A_60 = arith.constant 0 : i32
    %dma_wait3A_61 = arith.constant 0 : i32
    %dma_wait3A_62 = arith.constant 0 : i32
    %dma_wait3A_63 = tpu.memref_slice %arg7[%dma_wait3A_60, %dma_wait3A_61, %dma_wait3A_62] : memref<16x8x129xf32, #tpu.memory_space<vmem>> -> memref<8x8x128xf32, #tpu.memory_space<vmem>>
    %dma_wait3A_64 = arith.constant 0 : i32
    %dma_wait3A_65 = arith.constant 0 : i32
    %dma_wait3A_66 = arith.constant 0 : i32
    %dma_wait3A_67 = tpu.memref_slice %arg4[%dma_wait3A, %dma_wait3A_64, %add3A, %dma_wait3A_65, %dma_wait3A_66] : memref<200x8x32x8x128xf32, #tpu.memory_space<hbm>> -> memref<1x8x1x8x128xf32, #tpu.memory_space<hbm>>
    %dma_wait3A_68 = tpu.memref_squeeze %dma_wait3A_67 : memref<1x8x1x8x128xf32, #tpu.memory_space<hbm>> -> memref<8x8x128xf32, #tpu.memory_space<hbm>>
    %dma_wait3A_69 = arith.constant 0 : i32
    %dma_wait3A_70 = arith.constant 0 : i32
    %dma_wait3A_71 = arith.constant 0 : i32
    %dma_wait3A_72 = tpu.memref_slice %arg4[%dma_wait3A, %dma_wait3A_69, %add3A, %dma_wait3A_70, %dma_wait3A_71] : memref<200x8x32x8x128xf32, #tpu.memory_space<hbm>> -> memref<1x8x1x8x128xf32, #tpu.memory_space<hbm>>
    %dma_wait3A_73 = tpu.memref_squeeze %dma_wait3A_72 : memref<1x8x1x8x128xf32, #tpu.memory_space<hbm>> -> memref<8x8x128xf32, #tpu.memory_space<hbm>>
    %dma_wait3A_74 = arith.constant 0 : i32
    %dma_wait3A_75 = arith.constant 0 : i32
    %dma_wait3A_76 = arith.constant 0 : i32
    %dma_wait3A_77 = tpu.memref_slice %arg7[%dma_wait3A_74, %dma_wait3A_75, %dma_wait3A_76] : memref<16x8x129xf32, #tpu.memory_space<vmem>> -> memref<8x8x128xf32, #tpu.memory_space<vmem>>
    tpu.wait_dma2 semaphore(%arg10 : memref<!tpu.dma_semaphore, #tpu.memory_space<semaphore_mem>>) src(%dma_wait3A_77 : memref<8x8x128xf32, #tpu.memory_space<vmem>>) dst(%dma_wait3A_73 : memref<8x8x128xf32, #tpu.memory_space<hbm>>)
    %dma_wait3A_78 = arith.constant 199 : i32
    %dma_wait3A_79 = arith.constant 8 : i32
    %dma_wait3A_80 = arith.constant 0 : i32
    %dma_wait3A_81 = arith.constant 0 : i32
    %dma_wait3A_82 = tpu.memref_slice %arg7[%dma_wait3A_79, %dma_wait3A_80, %dma_wait3A_81] : memref<16x8x129xf32, #tpu.memory_space<vmem>> -> memref<8x8x128xf32, #tpu.memory_space<vmem>>
    %dma_wait3A_83 = arith.constant 0 : i32
    %dma_wait3A_84 = arith.constant 0 : i32
    %dma_wait3A_85 = arith.constant 0 : i32
    %dma_wait3A_86 = tpu.memref_slice %arg4[%dma_wait3A_78, %dma_wait3A_83, %add3A, %dma_wait3A_84, %dma_wait3A_85] : memref<200x8x32x8x128xf32, #tpu.memory_space<hbm>> -> memref<1x8x1x8x128xf32, #tpu.memory_space<hbm>>
    %dma_wait3A_87 = tpu.memref_squeeze %dma_wait3A_86 : memref<1x8x1x8x128xf32, #tpu.memory_space<hbm>> -> memref<8x8x128xf32, #tpu.memory_space<hbm>>
    %dma_wait3A_88 = arith.constant 0 : i32
    %dma_wait3A_89 = arith.constant 0 : i32
    %dma_wait3A_90 = arith.constant 0 : i32
    %dma_wait3A_91 = tpu.memref_slice %arg4[%dma_wait3A_78, %dma_wait3A_88, %add3A, %dma_wait3A_89, %dma_wait3A_90] : memref<200x8x32x8x128xf32, #tpu.memory_space<hbm>> -> memref<1x8x1x8x128xf32, #tpu.memory_space<hbm>>
    %dma_wait3A_92 = tpu.memref_squeeze %dma_wait3A_91 : memref<1x8x1x8x128xf32, #tpu.memory_space<hbm>> -> memref<8x8x128xf32, #tpu.memory_space<hbm>>
    %dma_wait3A_93 = arith.constant 8 : i32
    %dma_wait3A_94 = arith.constant 0 : i32
    %dma_wait3A_95 = arith.constant 0 : i32
    %dma_wait3A_96 = tpu.memref_slice %arg7[%dma_wait3A_93, %dma_wait3A_94, %dma_wait3A_95] : memref<16x8x129xf32, #tpu.memory_space<vmem>> -> memref<8x8x128xf32, #tpu.memory_space<vmem>>
    tpu.wait_dma2 semaphore(%arg11 : memref<!tpu.dma_semaphore, #tpu.memory_space<semaphore_mem>>) src(%dma_wait3A_96 : memref<8x8x128xf32, #tpu.memory_space<vmem>>) dst(%dma_wait3A_92 : memref<8x8x128xf32, #tpu.memory_space<hbm>>)
    return
  }
}

</mosaic_0001>

<sc_bundles>
// kernel: _sc_embed.3.cloned.1.call-start
scs
__scs_entry_jumppad:
0x0: {  	(pc) =	sbr.rel $0x88, $3  }
0x1: {  	(tag) =	ssettag $0x0;
	lr =	simm.s32 $0x1  }
0x2: {  	[smem:$0x3F9F] =	sst lr;
	_ =	strace $0xD0000000  }
0x3: {  	_ = 	snop  }
0x4: {  	_ = 	snop  }
0x5: {  	_ = 	snop  }
0x6: {  	_ = 	snop  }
0x7: {  	_ = 	snop  }
__scs_overlays_trampoline_lowered:
0x8: {  	[smem:$0x3FAE] =	sst s0  }
0x9: {  	[smem:$0x3FAF] =	sst s1  }
0xa: {  	[smem:$0x3FB0] =	sst s2  }
0xb: {  	[smem:$0x3FB1] =	sst s3  }
0xc: {  	[smem:$0x3FB2] =	sst s4  }
0xd: {  	[smem:$0x3FB3] =	sst s5  }
0xe: {  	[smem:$0x3FB4] =	sst s6  }
0xf: {  	[smem:$0x3FB5] =	sst s7  }
0x10: {  	[smem:$0x3FB6] =	sst s8  }
0x11: {  	[smem:$0x3FB7] =	sst s9;
	s0 =	simm.s32 @!p0 $0x0  }
0x12: {  	s1 =	sld [smem:$0x3F9D];
	s0 =	simm.s32 @p0 $0x1  }
0x13: {  	[smem:$0x3FB8] =	sst s0;
	s0 =	simm.s32 @!p1 $0x0  }
0x14: {  	s2 =	sld [smem:$0x3F9C];
	s0 =	simm.s32 @p1 $0x1  }
0x15: {  	[smem:$0x3FB9] =	sst s0;
	s0 =	simm.s32 @!p2 $0x0  }
0x16: {  	s3 =	sld [smem:$0x3FDB];
	s0 =	simm.s32 @p2 $0x1  }
0x17: {  	s4 =	simm.s32 $0x1BF5;
	[smem:$0x3FBB] =	sst s0  }
0x18: {  	s0 =	sld [smem:$0x3F9E];
	_ =	swait.ge [sflag:s4], $0x0  }
0x19: {  	s7 =	sld [smem:$0x3F9F]  }
0x1a: {  	s8 =	sadd.s32 $0xFFFFE003, lr  }
0x1b: {  	s9 =	sadd.s32 $0xFFFFFEF7, lr;
	s5 =	simm.s32 $0xFFFFFFFF;
	p2 =	slt.u32 s8, $0xFFFFF086  }
0x1c: {  	p1 =	slt.u32 s9, $0xF7A;
	s5 =	simm.s32 @!p2 $0x0  }
0x1d: {  	s5 =	simm.s32 @p1 $0x1;
	p0 =	seq.s32 s7, s2  }
0x1e: {  	s7 =	smul.u32 @!p0 $0xF7A, s2;
	p2 =	seq.s32 @!p0 s5, $0x0  }
0x1f: {  	s9 =	smul.u32 $0xF7A, s1;
	s8 =	simm.s32 @!p0 $0x1BF5;
	p2 =	por !p2, p0  }
0x20: {  	[sflag:s8] =	ssyncset.s32 @!p0 $0xFFFFF086;
	s6 =	sadd.s32 @!p0 s3, s7;
	s7 =	simm.s32 @!p0 $0x108  }
0x21: {  	s3 =	sadd.s32 s3, s9;
	s6 =	sadd.s32 @!p0 $0x88, s6;
	s7 =	simm.s32 @p2 $0x1082  }
0x22: {  	[simem:s7], [sflag:s8] =	dma.local @!p0 [hbm:s6], $0xF7A  }
0x23: {  	s9 =	sor.u32 $0xD0000000, s2;
	s6 =	simm.s32 $0x108;
	_ =	swait.ge @!p0 [sflag:s8], $0x0  }
0x24: {  	s3 =	sadd.s32 $0x88, s3;
	s6 =	simm.s32 @!p1 $0x1082;
	[sflag:s4] =	ssyncset.s32 $0xFFFFF086  }
0x25: {  	[simem:s6], [sflag:s4] =	dma.local [hbm:s3], $0xF7A  }
0x26: {  	[smem:$0x3F9F] =	sst s1;
	(tag) =	ssettag s2;
	_ =	strace s9  }
0x27: {  	s1 =	sld [smem:$0x3FAF]  }
0x28: {  	s2 =	sld [smem:$0x3FB0]  }
0x29: {  	s4 =	sld [smem:$0x3FB2]  }
0x2a: {  	p0 =	seq.s32 s5, $0x0;
	s5 =	sld [smem:$0x3FB3]  }
0x2b: {  	s6 =	sld [smem:$0x3FB4]  }
0x2c: {  	s7 =	sld [smem:$0x3FB5]  }
0x2d: {  	s3 =	simm.s32 $0x108;
	s8 =	sld [smem:$0x3FB6]  }
0x2e: {  	s3 =	simm.s32 @!p0 $0x1082;
	s9 =	sld [smem:$0x3FB7]  }
0x2f: {  	lr =	sadd.s32 s0, s3;
	s0 =	sld [smem:$0x3FAE]  }
0x30: {  	s3 =	sld [smem:$0x3FB1]  }
0x31: {  	[smem:$0x3FBA] =	sst s10  }
0x32: {  	s10 =	sld [smem:$0x3FB8];
	_ =	sdelay $0x3  }
0x33: {  	p0 =	seq.s32 s10, $0x1;
	s10 =	sld [smem:$0x3FBA];
	_ =	sdelay $0x3  }
0x34: {  	[smem:$0x3FBA] =	sst s10  }
0x35: {  	s10 =	sld [smem:$0x3FB9];
	_ =	sdelay $0x3  }
0x36: {  	p1 =	seq.s32 s10, $0x1;
	s10 =	sld [smem:$0x3FBA];
	_ =	sdelay $0x3  }
0x37: {  	[smem:$0x3FBA] =	sst s10  }
0x38: {  	s10 =	sld [smem:$0x3FBB]  }
0x39: {  	_ = 	snop;
	(pc) =	sbr.ind lr, $3  }
0x3a: {  	_ = 	snop  }
0x3b: {  	_ = 	snop  }
0x3c: {  	p2 =	seq.s32 s10, $0x1;
	s10 =	sld [smem:$0x3FBA]  }
0x3d: {  	_ =	shalt  }
0x3e: {  	_ =	shalt  }
0x3f: {  	_ =	shalt  }
0x40: {  	_ =	shalt  }
0x41: {  	_ =	shalt  }
0x42: {  	_ =	shalt  }
0x43: {  	_ =	shalt  }
0x44: {  	_ =	shalt  }
0x45: {  	_ =	shalt  }
0x46: {  	_ =	shalt  }
0x47: {  	_ =	shalt  }
0x48: {  	_ =	shalt  }
0x49: {  	_ =	shalt  }
0x4a: {  	_ =	shalt  }
0x4b: {  	_ =	shalt  }
0x4c: {  	_ =	shalt  }
0x4d: {  	_ =	shalt  }
0x4e: {  	_ =	shalt  }
0x4f: {  	_ =	shalt  }
0x50: {  	_ =	shalt  }
0x51: {  	_ =	shalt  }
0x52: {  	_ =	shalt  }
0x53: {  	_ =	shalt  }
0x54: {  	_ =	shalt  }
0x55: {  	_ =	shalt  }
0x56: {  	_ =	shalt  }
0x57: {  	_ =	shalt  }
0x58: {  	_ =	shalt  }
0x59: {  	_ =	shalt  }
0x5a: {  	_ =	shalt  }
0x5b: {  	_ =	shalt  }
0x5c: {  	_ =	shalt  }
0x5d: {  	_ =	shalt  }
0x5e: {  	_ =	shalt  }
0x5f: {  	_ =	shalt  }
0x60: {  	_ =	shalt  }
0x61: {  	_ =	shalt  }
0x62: {  	_ =	shalt  }
0x63: {  	_ =	shalt  }
0x64: {  	_ =	shalt  }
0x65: {  	_ =	shalt  }
0x66: {  	_ =	shalt  }
0x67: {  	_ =	shalt  }
0x68: {  	_ =	shalt  }
0x69: {  	_ =	shalt  }
0x6a: {  	_ =	shalt  }
0x6b: {  	_ =	shalt  }
0x6c: {  	_ =	shalt  }
0x6d: {  	_ =	shalt  }
0x6e: {  	_ =	shalt  }
0x6f: {  	_ =	shalt  }
0x70: {  	_ =	shalt  }
0x71: {  	_ =	shalt  }
0x72: {  	_ =	shalt  }
0x73: {  	_ =	shalt  }
0x74: {  	_ =	shalt  }
0x75: {  	_ =	shalt  }
0x76: {  	_ =	shalt  }
0x77: {  	_ =	shalt  }
0x78: {  	_ =	shalt  }
0x79: {  	_ =	shalt  }
0x7a: {  	_ =	shalt  }
0x7b: {  	_ =	shalt  }
0x7c: {  	_ =	shalt  }
0x7d: {  	_ =	shalt  }
0x7e: {  	_ =	shalt  }
0x7f: {  	_ =	shalt  }
0x80: {  	_ =	shalt  }
0x81: {  	_ =	shalt  }
0x82: {  	_ =	shalt  }
0x83: {  	_ =	shalt  }
0x84: {  	_ =	shalt  }
0x85: {  	_ =	shalt  }
0x86: {  	_ =	shalt  }
0x87: {  	_ =	shalt  }
.Lfunc_end0:
.L_simem_size_0:
called_computation_lowered:
.L_overlay_start_0:
0x88: {  	s2 =	sld [smem:$0x3FD9]  }
0x89: {  	s3 =	sld [smem:$0x3FFE];
	_ =	sdelay $0x1  }
0x8a: {  	s1 =	srdreg.scid  }
0x8b: {  	s0 =	sand.u32 $0x1, s1  }
0x8c: {  	s17 =	sshll.u32 s0, $0xA;
	s2 =	sadd.s32 s3, s2  }
0x8d: {  	s2 =	sadd.s32 s2, s17  }
0x8e: {  	[smem:$0x3FC6] =	sst s2  }
0x8f: {  	_ = 	snop  }
0x90: {  	s2 =	sld [smem:$0x3FD0];
	(tm) =	ssettm $0x1  }
0x91: {  	s18 =	sld [smem:$0x3FFB];
	_ =	sdelay $0x3  }
0x92: {  	_ =	strace s18  }
0x93: {  	s3 =	sld [smem:$0x3FFC];
	_ =	sdelay $0x3  }
0x94: {  	_ =	strace s3  }
0x95: {  	s3 =	sld [smem:$0x3FFD];
	_ =	sdelay $0x3  }
0x96: {  	_ =	strace s3  }
0x97: {  	_ =	strace $0x8FFFFFFF  }
0x98: {  	s19 =	sld [smem:$0x3FDB];
	_ =	sdelay $0x1  }
0x99: {  	s4 =	simm.s32 $_scs_section_size  }
0x9a: {  	s5 =	simm.s32 $_size__tile_overlayer_lowered;
	s6 =	simm.s32 $_tile_overlayer_lowered  }
0x9b: {  	s22 =	simm.s32 $0x1BFF;
	s21 =	sshll.u32 s6, $0x1;
	s3 =	sadd.s32 s4, s19  }
0x9c: {  	s7 =	simm.s32 $0x0;
	s20 =	sshll.u32 s5, $0x1;
	s5 =	sadd.s32 s21, s3  }
0x9d: {  	[timem:s7], [sflag:s22] =	dma.local [hbm:s5], s20  }
0x9e: {  	_ =	swait.ge [sflag:s22], s20  }
0x9f: {  	s4 =	ssub.s32 $0x0, s20;
	[sflag:s22] =	ssyncset.done $0x0  }
0xa0: {  	[sflag:s22] =	ssyncadd.s32 s4;
	_ =	sdelay $0x1  }
0xa1: {  	s23 =	simm.s32 $0x1B8B  }
0xa2: {  	_ =	swait.ge [sflag:s23], $0x1  }
0xa3: {  	[sflag:s23] =	ssyncset.done $0x0  }
0xa4: {  	s25 =	simm.s32 $0x1B8E;
	s24 =	sld [smem:$0x3FFE];
	[sflag:s23] =	ssyncadd.s32 $0xFFFFFFFF  }
0xa5: {  	s26 =	simm.s32 $execute0_lowered;
	[smem:$0x3FD2] =	sst s25  }
0xa6: {  	s5 =	sshll.u32 s26, $0x1;
	_ =	strace $0x80000046;
	[dreg:$0x1] =	wrdreg $0xFFFFFFFF  }
0xa7: {  	s28 =	simm.s32 $_size_execute0_lowered;
	s3 =	sadd.s32 s3, s5;
	[dreg:$0x0] =	wrdreg $0x0  }
0xa8: {  	s5 =	sshll.u32 s28, $0x1;
	[dreg:$0x2] =	wrdreg s3  }
0xa9: {  	[dreg:$0x3] =	wrdreg s5  }
0xaa: {  	[dreg:$0x4] =	wrdreg $0xC0  }
0xab: {  	_ =	task [dreg:s7], $0x5FFFF  }
0xac: {  	[dreg:$0x1] =	wrdreg $0xFFFFFFFF  }
0xad: {  	[dreg:$0x0] =	wrdreg $0x60  }
0xae: {  	[dreg:$0x2] =	wrdreg s24  }
0xaf: {  	[dreg:$0x3] =	wrdreg s2  }
0xb0: {  	[dreg:$0x4] =	wrdreg $0x9  }
0xb1: {  	_ =	task.clear_ibuf [dreg:s7], $0x5FFFF;
	_ =	strace $0x90000046  }
0xb2: {  	s29 =	simm.s32 $0x9;
	_ =	strace $0x80000048  }
0xb3: {  	_ =	swait.ge [sflag:s29], $0x1  }
0xb4: {  	[sflag:s29] =	ssyncadd.s32 $0xFFFFFFFF  }
0xb5: {  	_ =	strace $0x90000048  }
0xb6: {  	_ =	sfence  }
0xb7: {  	s30 =	sld [smem:$0x0];
	_ =	sdelay $0x2  }
0xb8: {  	s31 =	sshll.u32 s1, $0xD;
	s1 =	sshrl.u32 s1, $0x2  }
0xb9: {  	s3 =	sand.u32 $0x4000, s31;
	s1 =	sadd.s32 s1, s30  }
0xba: {  	s0 =	sor.u32 s3, s0;
	s1 =	sshll.u32 s1, $0x11  }
0xbb: {  	s0 =	sor.u32 s1, s0  }
0xbc: {  	s0 =	sadd.s32 $0x8F2B, s0  }
0xbd: {  	[sflag:s0] =	ssyncadd.remote.s32 $0x1  }
0xbe: {  	_ =	sfence.sel $0xFFFF  }
0xbf: {  	[dreg:$0x0] =	wrdreg $0xFFFFFFFF;
	(pc) =	sbr.abs _section_cstart, $3  }
0xc0: {  	[dreg:$0x1] =	wrdreg $0xFFFFFFFF  }
0xc1: {  	_ =	task.clear_ibuf [dreg:s7], $0x2FFFF;
	_ =	strace $0x9FFFFFFF  }
0xc2: {  	(tm) =	ssettm $0x7FFFFFFF  }
0xc3: {  	_ =	shalt  }
tec
execute0_lowered:
.L_overlay_start_1:
0x0: {  	(tag) =	ssettag $0x1  }
0x1: {  	v0 =	vlaneseq.u32  }
0x2: {  	v34 =	vmul.u32 $0x88, v0  }
0x3: {  	vm0 =	vcmask $0x300;
	v0 =	vimm.s32 $0x0  }
0x4: {  	v1 =	vsel vm0, $0x3, v0;
	v0 =	vadd.s32 $0x1983, v34  }
0x5: {  	[tilespmem:$0x1FC70] =	vst v0;
	v0 =	vadd.s32 $0x1984, v34  }
0x6: {  	[tilespmem:$0x1FC80] =	vst v0;
	v0 =	vadd.s32 $0x1985, v34  }
0x7: {  	[tilespmem:$0x1FC90] =	vst v0;
	v0 =	vadd.s32 $0x1986, v34  }
0x8: {  	[tilespmem:$0x1FCA0] =	vst v0;
	v0 =	vadd.s32 $0x2200, v34  }
0x9: {  	[tilespmem:$0x1FCB0] =	vst v0;
	v0 =	vadd.s32 $0x2A80, v34  }
0xa: {  	[tilespmem:$0x1FCC0] =	vst v0;
	v0 =	vadd.s32 $0x3300, v34  }
0xb: {  	[tilespmem:$0x1FCD0] =	vst v0;
	v0 =	vadd.s32 $0x3B80, v34  }
0xc: {  	[tilespmem:$0x1FCE0] =	vst v0;
	v0 =	vadd.s32 $0x2201, v34  }
0xd: {  	[tilespmem:$0x1FCF0] =	vst v0;
	v0 =	vadd.s32 $0x2A81, v34  }
0xe: {  	[tilespmem:$0x1FD00] =	vst v0;
	v0 =	vadd.s32 $0x3301, v34  }
0xf: {  	[tilespmem:$0x1FD10] =	vst v0;
	v0 =	vadd.s32 $0x3B81, v34  }
0x10: {  	[tilespmem:$0x1FD20] =	vst v0;
	v0 =	vadd.s32 $0x2202, v34  }
0x11: {  	[tilespmem:$0x1FD30] =	vst v0;
	v0 =	vadd.s32 $0x2A82, v34  }
0x12: {  	[tilespmem:$0x1FD40] =	vst v0;
	v0 =	vadd.s32 $0x3302, v34  }
0x13: {  	s5 =	rddreg [dreg:$0x0];
	[tilespmem:$0x1FD50] =	vst v0;
	v0 =	vadd.s32 $0x3B82, v34  }
0x14: {  	s2 =	rddreg [dreg:$0x1];
	s3 =	simm.s32 $0x0;
	[tilespmem:$0x1FD60] =	vst v0;
	v0 =	vadd.s32 $0x2203, v34  }
0x15: {  	s1 =	srdreg.scid;
	[smem:$0x7FF] =	sst s3;
	[tilespmem:$0x1FD70] =	vst v0;
	v0 =	vadd.s32 $0x2A83, v34  }
0x16: {  	s6 =	sand.u32 $0x1, s1;
	s1 =	rddreg [dreg:$0x2];
	_ =	strace $0x80000047;
	[tilespmem:$0x1FD80] =	vst v0  }
0x17: {  	v11 =	vadd.s32 $0x880, v34;
	[tilespmem:$0x1FE00] =	vst v34  }
0x18: {  	v40 =	vadd.s32 $0x1981, v34;
	[tilespmem:$0x1FE10] =	vst v11  }
0x19: {  	v41 =	vor.u32 $0x2, v34;
	[tilespmem:$0x1FE20] =	vst v40  }
0x1a: {  	v42 =	vadd.s32 $0x882, v34;
	[tilespmem:$0x1FE30] =	vst v41  }
0x1b: {  	v35 =	vadd.s32 $0x1102, v34;
	[tilespmem:$0x1FE40] =	vst v42  }
0x1c: {  	v45 =	vor.u32 $0x3, v34;
	[tilespmem:$0x1FE50] =	vst v35  }
0x1d: {  	v46 =	vadd.s32 $0x883, v34;
	[tilespmem:$0x1FE60] =	vst v45  }
0x1e: {  	v36 =	vadd.s32 $0x1103, v34;
	[tilespmem:$0x1FE70] =	vst v46  }
0x1f: {  	v49 =	vor.u32 $0x4, v34;
	[tilespmem:$0x1FE80] =	vst v36  }
0x20: {  	v38 =	vadd.s32 $0x1104, v34;
	[tilespmem:$0x1FE90] =	vst v49  }
0x21: {  	v53 =	vor.u32 $0x5, v34;
	[tilespmem:$0x1FEA0] =	vst v38  }
0x22: {  	v44 =	vadd.s32 $0x1105, v34;
	[tilespmem:$0x1FEB0] =	vst v53  }
0x23: {  	v57 =	vor.u32 $0x6, v34;
	[tilespmem:$0x1FEC0] =	vst v44  }
0x24: {  	v58 =	vadd.s32 $0x1106, v34;
	[tilespmem:$0x1FED0] =	vst v57  }
0x25: {  	v61 =	vor.u32 $0x7, v34;
	[tilespmem:$0x1FEE0] =	vst v58  }
0x26: {  	v62 =	vadd.s32 $0x887, v34;
	[tilespmem:$0x1FEF0] =	vst v61  }
0x27: {  	v63 =	vadd.s32 $0x1987, v34;
	[tilespmem:$0x1FF00] =	vst v62  }
0x28: {  	v7 =	vadd.s32 $0x3B84, v34;
	[tilespmem:$0x1FF10] =	vst v63  }
0x29: {  	v33 =	vadd.s32 $0x1107, v34;
	[tilespmem:$0x1FF20] =	vst v7  }
0x2a: {  	v56 =	vadd.s32 $0x3305, v34;
	[tilespmem:$0x1FF30] =	vst v33  }
0x2b: {  	v60 =	vadd.s32 $0x886, v34;
	[tilespmem:$0x1FF40] =	vst v56  }
0x2c: {  	v52 =	vadd.s32 $0x3B85, v34;
	[tilespmem:$0x1FF50] =	vst v60  }
0x2d: {  	v39 =	vadd.s32 $0x885, v34;
	[tilespmem:$0x1FF60] =	vst v52  }
0x2e: {  	v48 =	vadd.s32 $0x2206, v34;
	[tilespmem:$0x1FF70] =	vst v39  }
0x2f: {  	v37 =	vadd.s32 $0x884, v34;
	[tilespmem:$0x1FF80] =	vst v48  }
0x30: {  	v50 =	vadd.s32 $0x2A86, v34;
	[tilespmem:$0x1FF90] =	vst v37  }
0x31: {  	v2 =	vadd.s32 $0x3306, v34;
	[tilespmem:$0x1FFA0] =	vst v50  }
0x32: {  	v3 =	vadd.s32 $0x3B86, v34;
	[tilespmem:$0x1FFB0] =	vst v2  }
0x33: {  	v54 =	vadd.s32 $0x2207, v34;
	[tilespmem:$0x1FFC0] =	vst v3  }
0x34: {  	v55 =	vadd.s32 $0x2A87, v34;
	[tilespmem:$0x1FFD0] =	vst v54  }
0x35: {  	v6 =	vadd.s32 $0x3307, v34;
	[tilespmem:$0x1FFE0] =	vst v55  }
0x36: {  	s0 =	stileid.u32;
	s9 =	simm.s32 $0x8000;
	s10 =	simm.s32 $0x5;
	v0 =	vadd.s32 $0x3303, v34;
	[tilespmem:$0x1FFF0] =	vst v6  }
0x37: {  	s11 =	simm.s32 $0x80;
	s12 =	simm.s32 $0x6400;
	s13 =	simm.s32 $0x1;
	[tilespmem:$0x1FD90] =	vst v0;
	v0 =	vadd.s32 $0x3B83, v34  }
0x38: {  	s14 =	simm.s32 $0x8400;
	s15 =	simm.s32 $0xA400;
	s16 =	simm.s32 $0x2;
	[tilespmem:$0x1FDA0] =	vst v0;
	v0 =	vadd.s32 $0x2204, v34  }
0x39: {  	s17 =	simm.s32 $0x3;
	s4 =	sshll.u32 s0, $0xB;
	s7 =	sshll.u32 s6, $0xA;
	[tilespmem:$0x1FDB0] =	vst v0;
	v0 =	vadd.s32 $0x2A84, v34  }
0x3a: {  	s18 =	simm.s32 $0x4;
	s6 =	ssub.s32 $0x2, s6;
	s4 =	sor.u32 s7, s4;
	[tilespmem:$0x1FDC0] =	vst v0;
	v0 =	vadd.s32 $0x3304, v34  }
0x3b: {  	s19 =	simm.s32 $0x0;
	v30 =	vadd.s32 $0x1100, v34;
	s8 =	sshrl.u32 s6, $0x1;
	s7 =	sshrl.u32 s4, $0x3;
	[tilespmem:$0x1FDD0] =	vst v0;
	v0 =	vadd.s32 $0x2205, v34  }
0x3c: {  	v28 =	vadd.s32 $0x1980, v34;
	v29 =	vor.u32 $0x1, v34;
	s8 =	ssub.s32 s6, s8;
	s7 =	sadd.s32 s7, s5;
	s5 =	sadd.s32 $0xF42A00, s5;
	[tilespmem:$0x1FDE0] =	vst v0;
	v0 =	vadd.s32 $0x2A85, v34  }
0x3d: {  	v31 =	vadd.s32 $0x881, v34;
	v32 =	vadd.s32 $0x1101, v34;
	v27 =	vadd.s32 $0x1982, v34;
	s6 =	sadd.s32 $0x600, s7;
	s7 =	smax.u32 s8, $0x1;
	s8 =	simm.s32 $0x400;
	[tilespmem:$0x1FDF0] =	vst v0  }
.LBB2_1:
0x3e: {  	[tilespmem:s3], [sflag:$0x5] =	stream.strided.gather [hbm4b:s6+s8], $0x6400, s9, s8, $0x38;
	[tilespmem:$0xE800] =	vst v63  }
0x3f: {  	_ =	swait.ge [sflag:s10], $0x6400  }
0x40: {  	[sflag:s10] =	ssyncset.done $0x0  }
0x41: {  	s20 =	simm.s32 $0x0;
	[sflag:s10] =	ssyncadd.s32 $0xFFFF9C00  }
0x42: {  	[tilespmem:s12], [sflag:$0x1] =	stream.indirect.gather [hbm4b:s5+s11], $0x40, s3, s11, $0xb8;
	[tilespmem:$0xE800] =	vst v63  }
.LBB2_2:
0x43: {  	s21 =	sshllo.u32 s20, $0x1  }
0x44: {  	_ =	swait.ge [sflag:s13], $0x2000;
	s23 =	sshll.u32 s20, $0x8;
	s25 =	simm.s32 $0x0  }
0x45: {  	p0 =	seq.s32 s20, $0x0;
	s26 =	simm.s32 $0x1;
	s28 =	simm.s32 $0x2  }
0x46: {  	s24 =	simm.s32 $0x3;
	s29 =	simm.s32 $0x4;
	s30 =	simm.s32 $0x5  }
0x47: {  	s31 =	simm.s32 $0x6;
	s22 =	sshll.u32 s21, $0x7;
	[sflag:s13] =	ssyncset.done $0x0  }
0x48: {  	s23 =	sand.u32 $0x7C00, s23;
	v0 =	vmov s25;
	v2 =	vmov s26;
	s25 =	simm.s32 @!p0 $0x3;
	s22 =	sand.u32 $0x380, s22  }
0x49: {  	v3 =	vmov s28;
	v4 =	vmov s24;
	v5 =	vmov s29;
	[sflag:s13] =	ssyncadd.s32 $0xFFFFE000;
	s22 =	sor.u32 s22, s23;
	s23 =	simm.s32 $0x7  }
0x4a: {  	v6 =	vmov s30;
	v7 =	vmov s31;
	v0 =	vshrl.u32 v0, $0x3;
	[tilespmem:s14], [sflag:$0x2] =	stream.indirect.gather [hbm4b:s5+s11], $0x40, s22, s11, $0xb8;
	[tilespmem:$0xE800] =	vst v63  }
0x4b: {  	v2 =	vshrl.u32 v2, $0x3;
	v3 =	vshrl.u32 v3, $0x3;
	v8 =	vmov s23;
	_ =	swait.ge @!p0 [sflag:s25], $0x2000  }
0x4c: {  	v4 =	vshrl.u32 v4, $0x3;
	v5 =	vshrl.u32 v5, $0x3;
	v8 =	vshrl.u32 v8, $0x3;
	[sflag:s25] =	ssyncset.done @!p0 $0x0  }
0x4d: {  	v6 =	vshrl.u32 v6, $0x3;
	v0 =	vshll.u32 v0, v1;
	s23 =	simm.s32 $0x6500;
	v8 =	vshll.u32 v8, v1;
	[sflag:s25] =	ssyncadd.s32 @!p0 $0xFFFFE000  }
0x4e: {  	v10 =	vshrl.u32 v7, $0x3;
	v43 =	vbroadcast v0, $0x0;
	v48 =	vbroadcast v8, $0x0;
	v0 =	vld [tilespmem:s23+$0xC0]  }
0x4f: {  	v2 =	vshll.u32 v2, v1;
	v3 =	vshll.u32 v3, v1;
	v4 =	vshll.u32 v4, v1;
	v8 =	vld [tilespmem:s23+$0xFFFFFF00]  }
0x50: {  	v12 =	vshll.u32 v5, v1;
	v47 =	vbroadcast v2, $0x0;
	v13 =	vld [tilespmem:s23+$0xFFFFFF40];
	v14 =	vadd.s32 v61, v48  }
0x51: {  	v2 =	vshll.u32 v6, v1;
	v5 =	vbroadcast v3, $0x0;
	v6 =	vadd.s32 v34, v43;
	v15 =	vld [tilespmem:s23+$0xFFFFFF80]  }
0x52: {  	v10 =	vshll.u32 v10, v1;
	v4 =	vbroadcast v4, $0x0;
	v16 =	vadd.s32 v29, v47;
	v17 =	vld [tilespmem:s23+$0xFFFFFFC0]  }
0x53: {  	v3 =	vbroadcast v12, $0x0;
	v18 =	vadd.s32 v41, v5;
	v19 =	vld [tilespmem:s23+$0x0];
	v12 =	vmul.f32 $8.000000000e+00, v0  }
0x54: {  	v20 =	vadd.s32 v45, v4;
	v21 =	vld [tilespmem:s23+$0x40];
	v8 =	vmul.f32 $8.000000000e+00, v8;
	v0 =	vbroadcast v2, $0x0  }
0x55: {  	v22 =	vadd.s32 v49, v3;
	v23 =	vld [tilespmem:s23+$0x80];
	v13 =	vmul.f32 $8.000000000e+00, v13;
	v2 =	vbroadcast v10, $0x0;
	[tilespmem:v14+s15+$0x0] =	vst.idx.msk $0xffff, v12  }
0x56: {  	[tilespmem:v6+s15+$0x0] =	vst.idx.msk $0xffff, v8;
	v6 =	vmul.f32 $8.000000000e+00, v15;
	v9 =	vadd.s32 v53, v0;
	v12 =	vld [tilespmem:s23+$0xD0]  }
0x57: {  	[tilespmem:v16+s15+$0x0] =	vst.idx.msk $0xffff, v13;
	v13 =	vmul.f32 $8.000000000e+00, v17;
	v15 =	vadd.s32 v57, v2;
	v14 =	vld [tilespmem:s23+$0xFFFFFF10]  }
0x58: {  	s24 =	simm.s32 $0x8;
	v17 =	vld [tilespmem:s23+$0xFFFFFF50];
	[tilespmem:v18+s15+$0x0] =	vst.idx.msk $0xffff, v6;
	v6 =	vmul.f32 $8.000000000e+00, v19;
	v18 =	vadd.s32 v62, v48  }
0x59: {  	v24 =	vadd.s32 v11, v43;
	v10 =	vmov s24;
	[tilespmem:v20+s15+$0x0] =	vst.idx.msk $0xffff, v13;
	v13 =	vmul.f32 $8.000000000e+00, v21;
	v25 =	vld [tilespmem:s23+$0xFFFFFF90]  }
0x5a: {  	v7 =	vshrl.u32 v10, $0x3;
	v21 =	vadd.s32 v31, v47;
	v10 =	vld [tilespmem:s23+$0xFFFFFFD0];
	[tilespmem:v22+s15+$0x0] =	vst.idx.msk $0xffff, v6;
	v6 =	vmul.f32 $8.000000000e+00, v23  }
0x5b: {  	s29 =	simm.s32 $0xC;
	v23 =	vadd.s32 v42, v5;
	v8 =	vld [tilespmem:s23+$0x10];
	[tilespmem:v9+s15+$0x0] =	vst.idx.msk $0xffff, v13;
	v9 =	vmul.f32 $8.000000000e+00, v12  }
0x5c: {  	v59 =	vmovc v11;
	s30 =	simm.s32 $0xD;
	v50 =	vmov s29;
	v13 =	vmul.f32 $8.000000000e+00, v14;
	v14 =	vadd.s32 v46, v4;
	v11 =	vld [tilespmem:s23+$0x50];
	[tilespmem:v15+s15+$0x0] =	vst.idx.msk $0xffff, v6  }
0x5d: {  	v51 =	vmov s30;
	v15 =	vmul.f32 $8.000000000e+00, v17;
	v17 =	vadd.s32 v37, v3;
	v6 =	vld [tilespmem:s23+$0x90];
	[tilespmem:v18+s15+$0x0] =	vst.idx.msk $0xffff, v9  }
0x5e: {  	v52 =	vshrl.u32 v50, $0x3;
	[tilespmem:v24+s15+$0x0] =	vst.idx.msk $0xffff, v13;
	v13 =	vmul.f32 $8.000000000e+00, v25;
	v18 =	vadd.s32 v39, v0;
	v24 =	vld [tilespmem:s23+$0xE0]  }
0x5f: {  	v50 =	vshrl.u32 v51, $0x3;
	[tilespmem:v21+s15+$0x0] =	vst.idx.msk $0xffff, v15;
	v10 =	vmul.f32 $8.000000000e+00, v10;
	v15 =	vadd.s32 v60, v2;
	v25 =	vld [tilespmem:s23+$0xFFFFFF20]  }
0x60: {  	v51 =	vadd.s32 v38, v3;
	s25 =	simm.s32 $0x9;
	v21 =	vld [tilespmem:s23+$0xFFFFFF60];
	[tilespmem:v23+s15+$0x0] =	vst.idx.msk $0xffff, v13;
	v8 =	vmul.f32 $8.000000000e+00, v8;
	v13 =	vadd.s32 v33, v48  }
0x61: {  	v16 =	vmov s25;
	v23 =	vadd.s32 v30, v43;
	v22 =	vld [tilespmem:s23+$0xFFFFFFA0];
	[tilespmem:v14+s15+$0x0] =	vst.idx.msk $0xffff, v10;
	v10 =	vmul.f32 $8.000000000e+00, v11  }
0x62: {  	s31 =	simm.s32 $0xE;
	v7 =	vshll.u32 v7, v1;
	v14 =	vadd.s32 v32, v47;
	v9 =	vld [tilespmem:s23+$0xFFFFFFE0];
	[tilespmem:v17+s15+$0x0] =	vst.idx.msk $0xffff, v8;
	v6 =	vmul.f32 $8.000000000e+00, v6  }
0x63: {  	v12 =	vmov s31;
	v8 =	vadd.s32 v35, v5;
	v17 =	vld [tilespmem:s23+$0x20];
	[tilespmem:v18+s15+$0x0] =	vst.idx.msk $0xffff, v10;
	v18 =	vmul.f32 $8.000000000e+00, v24  }
0x64: {  	v10 =	vshrl.u32 v12, $0x3;
	v12 =	vmul.f32 $8.000000000e+00, v25;
	v24 =	vadd.s32 v36, v4;
	v11 =	vld [tilespmem:s23+$0x60];
	[tilespmem:v15+s15+$0x0] =	vst.idx.msk $0xffff, v6  }
0x65: {  	s28 =	simm.s32 $0xB;
	v16 =	vshrl.u32 v16, $0x3;
	v6 =	vbroadcast v7, $0x0;
	v7 =	vmul.f32 $8.000000000e+00, v21;
	v56 =	vld [tilespmem:s23+$0xA0];
	[tilespmem:v13+s15+$0x0] =	vst.idx.msk $0xffff, v18  }
0x66: {  	v20 =	vmov s28;
	v15 =	vshll.u32 v16, v1;
	[tilespmem:v23+s15+$0x0] =	vst.idx.msk $0xffff, v12;
	v16 =	vmul.f32 $8.000000000e+00, v22;
	v22 =	vld [tilespmem:s23+$0xF0]  }
0x67: {  	v20 =	vshrl.u32 v20, $0x3;
	[tilespmem:v14+s15+$0x0] =	vst.idx.msk $0xffff, v7;
	v18 =	vld [tilespmem:s23+$0xFFFFFF30];
	v7 =	vmul.f32 $8.000000000e+00, v9  }
0x68: {  	v13 =	vshll.u32 v20, v1;
	v20 =	vld [tilespmem:s23+$0xFFFFFF70];
	[tilespmem:v8+s15+$0x0] =	vst.idx.msk $0xffff, v16;
	v25 =	vmul.f32 $8.000000000e+00, v17  }
0x69: {  	s26 =	simm.s32 $0xA;
	v17 =	vld [tilespmem:s23+$0xFFFFFFB0];
	[tilespmem:v24+s15+$0x0] =	vst.idx.msk $0xffff, v7  }
0x6a: {  	v19 =	vmov s26;
	v23 =	vld [tilespmem:s23+$0xFFFFFFF0];
	[tilespmem:v51+s15+$0x0] =	vst.idx.msk $0xffff, v25  }
0x6b: {  	v19 =	vshrl.u32 v19, $0x3;
	v21 =	vadd.s32 v44, v0;
	v8 =	vadd.s32 v63, v48;
	v48 =	vld [tilespmem:$0x1FC70]  }
0x6c: {  	v54 =	vmovc v39;
	v12 =	vshll.u32 v19, v1;
	v19 =	vadd.s32 v58, v2;
	v14 =	vshll.u32 v52, v1;
	v52 =	vld [tilespmem:$0x1FC80]  }
0x6d: {  	v55 =	vmovc v44;
	v9 =	vadd.s32 v40, v47;
	v47 =	vmovc v36;
	v16 =	vadd.s32 v28, v43;
	v25 =	vmul.f32 $8.000000000e+00, v56;
	v56 =	vld [tilespmem:$0x1FC90]  }
0x6e: {  	s22 =	sshll.u32 s20, $0x1;
	s24 =	simm.s32 $0x10;
	s25 =	simm.s32 $0xF;
	v43 =	vmovc v35;
	v24 =	vmul.f32 $8.000000000e+00, v11;
	v11 =	vshll.u32 v50, v1;
	v50 =	vmovc v37;
	v51 =	vmov v38;
	v53 =	vld [tilespmem:$0x1FCA0]  }
.LBB2_3:
0x6f: {  	_ = 	snop  }
0x70: {  	v26 =	vmov s25;
	v5 =	vadd.s32 v27, v5;
	v44 =	vmovc v27;
	v27 =	vld [tilespmem:s23+$0x30];
	[tilespmem:v21+s15+$0x0] =	vst.idx.msk $0xffff, v24;
	v21 =	vmul.f32 $8.000000000e+00, v22  }
0x71: {  	v4 =	vadd.s32 v48, v4;
	v7 =	vmov v6;
	v6 =	vshrl.u32 v26, $0x3;
	[tilespmem:v19+s15+$0x0] =	vst.idx.msk $0xffff, v25;
	v22 =	vld [tilespmem:s23+$0x70]  }
0x72: {  	v6 =	vshll.u32 v6, v1;
	v18 =	vmul.f32 $8.000000000e+00, v18;
	v19 =	vmul.f32 $8.000000000e+00, v20;
	v20 =	vld [tilespmem:s23+$0xB0];
	s23 =	sadd.s32 $0x200, s23;
	[tilespmem:v8+s15+$0x0] =	vst.idx.msk $0xffff, v21  }
0x73: {  	v3 =	vadd.s32 v52, v3;
	v8 =	vbroadcast v6, $0x0;
	v21 =	vld [tilespmem:s23+$0xC0]  }
0x74: {  	v0 =	vadd.s32 v56, v0;
	[tilespmem:v16+s15+$0x0] =	vst.idx.msk $0xffff, v18;
	v6 =	vmul.f32 $8.000000000e+00, v17  }
0x75: {  	[tilespmem:v9+s15+$0x0] =	vst.idx.msk $0xffff, v19;
	v17 =	vmul.f32 $8.000000000e+00, v23;
	v9 =	vbroadcast v15, $0x0;
	v16 =	vld [tilespmem:s23+$0xFFFFFF00];
	v15 =	vadd.s32 v61, v8  }
0x76: {  	v2 =	vadd.s32 v53, v2;
	v18 =	vld [tilespmem:s23+$0xFFFFFF40];
	[tilespmem:v5+s15+$0x0] =	vst.idx.msk $0xffff, v6;
	v6 =	vmul.f32 $8.000000000e+00, v27  }
0x77: {  	v19 =	vadd.s32 v34, v7;
	v5 =	vbroadcast v12, $0x0;
	[tilespmem:v4+s15+$0x0] =	vst.idx.msk $0xffff, v17;
	v23 =	vld [tilespmem:s23+$0xFFFFFF80];
	v12 =	vmul.f32 $8.000000000e+00, v22  }
0x78: {  	v17 =	vadd.s32 v29, v9;
	v22 =	vld [tilespmem:s23+$0xFFFFFFC0];
	[tilespmem:v3+s15+$0x0] =	vst.idx.msk $0xffff, v6;
	v3 =	vbroadcast v14, $0x0;
	v14 =	vmul.f32 $8.000000000e+00, v21  }
0x79: {  	v4 =	vbroadcast v13, $0x0;
	v6 =	vmul.f32 $8.000000000e+00, v20;
	v20 =	vld [tilespmem:s23+$0x0];
	[tilespmem:v0+s15+$0x0] =	vst.idx.msk $0xffff, v12  }
0x7a: {  	v13 =	vadd.s32 v41, v5;
	v12 =	vmul.f32 $8.000000000e+00, v16;
	[tilespmem:v15+s15+$0x0] =	vst.idx.msk $0xffff, v14;
	v14 =	vld [tilespmem:$0x1FEB0]  }
0x7b: {  	v10 =	vshll.u32 v10, v1;
	v16 =	vadd.s32 v45, v4;
	v21 =	vld [tilespmem:s23+$0x40];
	[tilespmem:v2+s15+$0x0] =	vst.idx.msk $0xffff, v6;
	v6 =	vmul.f32 $8.000000000e+00, v18  }
0x7c: {  	v0 =	vbroadcast v11, $0x0;
	v11 =	vadd.s32 v49, v3;
	v2 =	vbroadcast v10, $0x0;
	v18 =	vld [tilespmem:s23+$0x80];
	[tilespmem:v19+s15+$0x0] =	vst.idx.msk $0xffff, v12  }
0x7d: {  	v12 =	vmul.f32 $8.000000000e+00, v23;
	[tilespmem:v17+s15+$0x0] =	vst.idx.msk $0xffff, v6;
	v15 =	vld [tilespmem:s23+$0xD0]  }
0x7e: {  	v6 =	vmul.f32 $8.000000000e+00, v22;
	v17 =	vadd.s32 v57, v2;
	v23 =	vld [tilespmem:s23+$0xFFFFFF50]  }
0x7f: {  	v19 =	vld [tilespmem:s23+$0xFFFFFF10];
	[tilespmem:v13+s15+$0x0] =	vst.idx.msk $0xffff, v12;
	v12 =	vmul.f32 $8.000000000e+00, v20;
	v14 =	vadd.s32 v14, v0  }
0x80: {  	[tilespmem:v16+s15+$0x0] =	vst.idx.msk $0xffff, v6;
	v6 =	vmul.f32 $8.000000000e+00, v21;
	v21 =	vadd.s32 v31, v9  }
0x81: {  	v10 =	vmov s24;
	v13 =	vadd.s32 v62, v8;
	v25 =	vld [tilespmem:s23+$0xFFFFFF90];
	[tilespmem:v11+s15+$0x0] =	vst.idx.msk $0xffff, v12;
	v11 =	vmul.f32 $8.000000000e+00, v18  }
0x82: {  	s31 =	sadd.s32 $0x1, s24;
	v24 =	vadd.s32 v59, v7;
	v10 =	vshrl.u32 v10, $0x3;
	v26 =	vld [tilespmem:s23+$0xFFFFFFD0]  }
0x83: {  	v22 =	vmov s31;
	v18 =	vadd.s32 v42, v5;
	v27 =	vld [tilespmem:s23+$0x10];
	[tilespmem:v17+s15+$0x0] =	vst.idx.msk $0xffff, v11;
	v17 =	vmul.f32 $8.000000000e+00, v23  }
0x84: {  	s26 =	sadd.s32 $0x2, s24;
	[tilespmem:v14+s15+$0x0] =	vst.idx.msk $0xffff, v6;
	v6 =	vmul.f32 $8.000000000e+00, v15;
	v15 =	vmul.f32 $8.000000000e+00, v19;
	v19 =	vadd.s32 v46, v4  }
0x85: {  	s28 =	sadd.s32 $0x3, s24;
	v37 =	vmovc v29;
	v22 =	vshrl.u32 v22, $0x3;
	v20 =	vmov s26;
	v23 =	vadd.s32 v50, v3;
	v29 =	vld [tilespmem:s23+$0x90];
	[tilespmem:v21+s15+$0x0] =	vst.idx.msk $0xffff, v17  }
0x86: {  	s29 =	sadd.s32 $0x4, s24;
	v36 =	vmovc v28;
	v16 =	vmov s28;
	v28 =	vld [tilespmem:s23+$0x50];
	[tilespmem:v13+s15+$0x0] =	vst.idx.msk $0xffff, v6;
	v6 =	vshll.u32 v10, v1;
	v10 =	vmul.f32 $8.000000000e+00, v25  }
0x87: {  	v20 =	vshrl.u32 v20, $0x3;
	v12 =	vmov s29;
	v17 =	vmul.f32 $8.000000000e+00, v26;
	[tilespmem:v24+s15+$0x0] =	vst.idx.msk $0xffff, v15;
	v15 =	vld [tilespmem:s23+$0xE0]  }
0x88: {  	s31 =	sadd.s32 $0x6, s24;
	v21 =	vadd.s32 v60, v2;
	v13 =	vadd.s32 v54, v0;
	v24 =	vld [tilespmem:s23+$0xFFFFFF20];
	[tilespmem:v18+s15+$0x0] =	vst.idx.msk $0xffff, v10;
	v10 =	vmul.f32 $8.000000000e+00, v27  }
0x89: {  	s30 =	sadd.s32 $0x5, s24;
	v11 =	vmov s31;
	v26 =	vadd.s32 v30, v7;
	v25 =	vld [tilespmem:s23+$0xFFFFFF60];
	v18 =	vadd.s32 v33, v8;
	[tilespmem:v19+s15+$0x0] =	vst.idx.msk $0xffff, v17  }
0x8a: {  	v14 =	vmov s30;
	v8 =	vadd.s32 v63, v8;
	v27 =	vld [tilespmem:s23+$0xFFFFFFA0];
	v19 =	vadd.s32 v32, v9;
	[tilespmem:v23+s15+$0x0] =	vst.idx.msk $0xffff, v10  }
0x8b: {  	v17 =	vmul.f32 $8.000000000e+00, v28;
	v28 =	vshrl.u32 v12, $0x3;
	v12 =	vmul.f32 $8.000000000e+00, v29;
	v29 =	vld [tilespmem:s23+$0x20]  }
0x8c: {  	v35 =	vmovc v30;
	v9 =	vadd.s32 v40, v9;
	v30 =	vld [tilespmem:s23+$0xFFFFFFE0];
	v23 =	vshrl.u32 v14, $0x3;
	v14 =	vadd.s32 v43, v5  }
0x8d: {  	v38 =	vmovc v31;
	v39 =	vmovc v32;
	v10 =	vshrl.u32 v11, $0x3;
	[tilespmem:v13+s15+$0x0] =	vst.idx.msk $0xffff, v17;
	v13 =	vmul.f32 $8.000000000e+00, v15;
	v11 =	vmul.f32 $8.000000000e+00, v24  }
0x8e: {  	v24 =	vadd.s32 v47, v4;
	[tilespmem:v21+s15+$0x0] =	vst.idx.msk $0xffff, v12;
	v17 =	vmul.f32 $8.000000000e+00, v25;
	v25 =	vadd.s32 v51, v3;
	v31 =	vld [tilespmem:s23+$0x60]  }
0x8f: {  	p0 =	slt.u32 s24, $0x78;
	v16 =	vshrl.u32 v16, $0x3;
	v15 =	vshll.u32 v22, v1;
	v21 =	vadd.s32 v55, v0;
	v32 =	vld [tilespmem:s23+$0xA0];
	[tilespmem:v18+s15+$0x0] =	vst.idx.msk $0xffff, v13  }
.Ltmp0:
0x90: {  	v12 =	vshll.u32 v20, v1;
	[tilespmem:v26+s15+$0x0] =	vst.idx.msk $0xffff, v11;
	v11 =	vmul.f32 $8.000000000e+00, v27;
	v22 =	vld [tilespmem:s23+$0xF0];
	v27 =	vmul.f32 $8.000000000e+00, v29;
	(pc) =	sbr.rel @p0 .LBB2_3-.Ltmp0, $4  }
0x91: {  	[tilespmem:v19+s15+$0x0] =	vst.idx.msk $0xffff, v17;
	v19 =	vadd.s32 v58, v2;
	v13 =	vshll.u32 v16, v1;
	v18 =	vld [tilespmem:s23+$0xFFFFFF30];
	v26 =	vmul.f32 $8.000000000e+00, v30  }
0x92: {  	v6 =	vbroadcast v6, $0x0;
	v16 =	vadd.s32 v36, v7;
	v30 =	vmovc v35;
	v20 =	vld [tilespmem:s23+$0xFFFFFF70];
	[tilespmem:v14+s15+$0x0] =	vst.idx.msk $0xffff, v11;
	v29 =	vmov v37  }
0x93: {  	v14 =	vshll.u32 v28, v1;
	v28 =	vmov v36;
	v11 =	vshll.u32 v23, v1;
	v17 =	vld [tilespmem:s23+$0xFFFFFFB0];
	[tilespmem:v24+s15+$0x0] =	vst.idx.msk $0xffff, v26  }
0x94: {  	s25 =	sadd.s32 $0x7, s24;
	s24 =	sadd.s32 $0x8, s24;
	v24 =	vmul.f32 $8.000000000e+00, v31;
	v31 =	vmovc v38;
	v23 =	vld [tilespmem:s23+$0xFFFFFFF0];
	[tilespmem:v25+s15+$0x0] =	vst.idx.msk $0xffff, v27;
	v25 =	vmul.f32 $8.000000000e+00, v32;
	v32 =	vmovc v39;
	v27 =	vmov v44  }
0x95: {  	_ =	sdelay $0x3  }
0x96: {  	v7 =	vmov s25;
	v5 =	vadd.s32 v27, v5;
	v26 =	vld [tilespmem:s23+$0x30];
	[tilespmem:v21+s15+$0x0] =	vst.idx.msk $0xffff, v24;
	v24 =	vmul.f32 $8.000000000e+00, v22  }
0x97: {  	v4 =	vadd.s32 v48, v4;
	v7 =	vshrl.u32 v7, $0x3;
	v18 =	vmul.f32 $8.000000000e+00, v18;
	[tilespmem:v19+s15+$0x0] =	vst.idx.msk $0xffff, v25;
	v22 =	vld [tilespmem:s23+$0x70]  }
0x98: {  	v3 =	vadd.s32 v52, v3;
	s31 =	sadd.s32 $0x200, s23;
	v7 =	vshll.u32 v7, v1;
	v25 =	vmul.f32 $8.000000000e+00, v20;
	v20 =	vld [tilespmem:s23+$0xB0];
	[tilespmem:v8+s15+$0x0] =	vst.idx.msk $0xffff, v24  }
0x99: {  	v0 =	vadd.s32 v56, v0;
	v8 =	vld [tilespmem:s31+$0xC0];
	v7 =	vbroadcast v7, $0x0;
	[tilespmem:v16+s15+$0x0] =	vst.idx.msk $0xffff, v18;
	v24 =	vmul.f32 $8.000000000e+00, v17  }
0x9a: {  	v2 =	vadd.s32 v53, v2;
	v17 =	vld [tilespmem:s31+$0xFFFFFF00];
	[tilespmem:v9+s15+$0x0] =	vst.idx.msk $0xffff, v25;
	v25 =	vmul.f32 $8.000000000e+00, v23  }
0x9b: {  	v19 =	vadd.s32 v61, v7;
	[tilespmem:v5+s15+$0x0] =	vst.idx.msk $0xffff, v24;
	v26 =	vmul.f32 $8.000000000e+00, v26  }
0x9c: {  	v16 =	vadd.s32 v34, v6;
	[tilespmem:v4+s15+$0x0] =	vst.idx.msk $0xffff, v25;
	v61 =	vmul.f32 $8.000000000e+00, v22  }
0x9d: {  	[tilespmem:v3+s15+$0x0] =	vst.idx.msk $0xffff, v26;
	v3 =	vmul.f32 $8.000000000e+00, v20  }
0x9e: {  	v8 =	vmul.f32 $8.000000000e+00, v8;
	[tilespmem:v0+s15+$0x0] =	vst.idx.msk $0xffff, v61  }
0x9f: {  	v0 =	vmul.f32 $8.000000000e+00, v17;
	[tilespmem:v2+s15+$0x0] =	vst.idx.msk $0xffff, v3  }
0xa0: {  	v21 =	vld [tilespmem:s31+$0xFFFFFF80];
	[tilespmem:v19+s15+$0x0] =	vst.idx.msk $0xffff, v8  }
0xa1: {  	v15 =	vbroadcast v15, $0x0;
	v18 =	vld [tilespmem:s31+$0xFFFFFF40];
	[tilespmem:v16+s15+$0x0] =	vst.idx.msk $0xffff, v0  }
0xa2: {  	v12 =	vbroadcast v12, $0x0;
	v8 =	vld [tilespmem:$0x1FEB0]  }
0xa3: {  	v13 =	vbroadcast v13, $0x0;
	v24 =	vadd.s32 v29, v15;
	v25 =	vld [tilespmem:s31+$0xFFFFFFC0]  }
0xa4: {  	v14 =	vbroadcast v14, $0x0;
	v29 =	vld [tilespmem:s31+$0x0];
	v26 =	vadd.s32 v41, v12  }
0xa5: {  	v10 =	vshll.u32 v10, v1;
	v11 =	vbroadcast v11, $0x0;
	v34 =	vadd.s32 v45, v13;
	v41 =	vld [tilespmem:s31+$0x40]  }
0xa6: {  	v10 =	vbroadcast v10, $0x0;
	v45 =	vld [tilespmem:s31+$0x80];
	v2 =	vmul.f32 $8.000000000e+00, v18;
	v3 =	vadd.s32 v49, v14  }
0xa7: {  	v0 =	vmul.f32 $8.000000000e+00, v21;
	v16 =	vld [tilespmem:s31+$0xD0];
	v8 =	vadd.s32 v8, v11  }
0xa8: {  	v61 =	vadd.s32 v57, v10;
	v49 =	vld [tilespmem:s31+$0xFFFFFF10];
	[tilespmem:v24+s15+$0x0] =	vst.idx.msk $0xffff, v2;
	v2 =	vmul.f32 $8.000000000e+00, v25  }
0xa9: {  	v25 =	vadd.s32 v62, v7;
	v24 =	vld [tilespmem:s31+$0xFFFFFF50];
	[tilespmem:v26+s15+$0x0] =	vst.idx.msk $0xffff, v0;
	v0 =	vmul.f32 $8.000000000e+00, v29  }
0xaa: {  	v26 =	vadd.s32 v59, v6;
	v29 =	vld [tilespmem:s31+$0xFFFFFF90];
	[tilespmem:v34+s15+$0x0] =	vst.idx.msk $0xffff, v2;
	v2 =	vmul.f32 $8.000000000e+00, v41  }
0xab: {  	v34 =	vadd.s32 v31, v15;
	v41 =	vld [tilespmem:s31+$0xFFFFFFD0];
	[tilespmem:v3+s15+$0x0] =	vst.idx.msk $0xffff, v0;
	v0 =	vmul.f32 $8.000000000e+00, v45  }
0xac: {  	v3 =	vadd.s32 v42, v12;
	v45 =	vld [tilespmem:s31+$0x10];
	[tilespmem:v8+s15+$0x0] =	vst.idx.msk $0xffff, v2;
	v2 =	vmul.f32 $8.000000000e+00, v16  }
0xad: {  	v57 =	vadd.s32 v46, v13;
	v49 =	vmul.f32 $8.000000000e+00, v49;
	[tilespmem:v61+s15+$0x0] =	vst.idx.msk $0xffff, v0;
	v59 =	vld [tilespmem:s31+$0x50]  }
0xae: {  	v61 =	vadd.s32 v50, v14;
	v0 =	vmul.f32 $8.000000000e+00, v24;
	v62 =	vld [tilespmem:s31+$0x90];
	[tilespmem:v25+s15+$0x0] =	vst.idx.msk $0xffff, v2  }
0xaf: {  	v24 =	vadd.s32 v54, v11;
	[tilespmem:v26+s15+$0x0] =	vst.idx.msk $0xffff, v49;
	v2 =	vmul.f32 $8.000000000e+00, v29;
	v25 =	vld [tilespmem:s31+$0xE0]  }
0xb0: {  	v26 =	vadd.s32 v60, v10;
	v20 =	vld [tilespmem:s31+$0xFFFFFF20];
	[tilespmem:v34+s15+$0x0] =	vst.idx.msk $0xffff, v0;
	v0 =	vmul.f32 $8.000000000e+00, v41  }
0xb1: {  	v29 =	vld [tilespmem:s31+$0xFFFFFF60];
	[tilespmem:v3+s15+$0x0] =	vst.idx.msk $0xffff, v2;
	v2 =	vmul.f32 $8.000000000e+00, v45;
	v3 =	vadd.s32 v33, v7  }
0xb2: {  	v30 =	vadd.s32 v30, v6;
	[tilespmem:v57+s15+$0x0] =	vst.idx.msk $0xffff, v0;
	v31 =	vld [tilespmem:s31+$0xFFFFFFA0];
	v0 =	vmul.f32 $8.000000000e+00, v59  }
0xb3: {  	v34 =	vld [tilespmem:s31+$0xFFFFFFE0];
	v33 =	vadd.s32 v32, v15;
	[tilespmem:v61+s15+$0x0] =	vst.idx.msk $0xffff, v2;
	v2 =	vmul.f32 $8.000000000e+00, v62  }
0xb4: {  	v41 =	vadd.s32 v43, v12;
	v42 =	vld [tilespmem:s31+$0x20];
	[tilespmem:v24+s15+$0x0] =	vst.idx.msk $0xffff, v0;
	v0 =	vmul.f32 $8.000000000e+00, v25  }
0xb5: {  	v43 =	vmul.f32 $8.000000000e+00, v20;
	v45 =	vadd.s32 v47, v13;
	[tilespmem:v26+s15+$0x0] =	vst.idx.msk $0xffff, v2;
	v46 =	vld [tilespmem:s31+$0x60]  }
0xb6: {  	v47 =	vadd.s32 v51, v14;
	v2 =	vmul.f32 $8.000000000e+00, v29;
	v49 =	vld [tilespmem:s31+$0xA0];
	[tilespmem:v3+s15+$0x0] =	vst.idx.msk $0xffff, v0  }
0xb7: {  	[tilespmem:v30+s15+$0x0] =	vst.idx.msk $0xffff, v43;
	v0 =	vmul.f32 $8.000000000e+00, v31;
	v3 =	vadd.s32 v55, v11;
	v50 =	vld [tilespmem:s31+$0xF0]  }
0xb8: {  	v51 =	vadd.s32 v58, v10;
	v18 =	vld [tilespmem:s31+$0xFFFFFF30];
	[tilespmem:v33+s15+$0x0] =	vst.idx.msk $0xffff, v2;
	v2 =	vmul.f32 $8.000000000e+00, v34  }
0xb9: {  	v7 =	vadd.s32 v63, v7;
	v54 =	vld [tilespmem:s31+$0xFFFFFF70];
	[tilespmem:v41+s15+$0x0] =	vst.idx.msk $0xffff, v0;
	v0 =	vmul.f32 $8.000000000e+00, v42  }
0xba: {  	v55 =	vadd.s32 v28, v6;
	[tilespmem:v45+s15+$0x0] =	vst.idx.msk $0xffff, v2;
	v9 =	vld [tilespmem:s31+$0xFFFFFFB0];
	v2 =	vmul.f32 $8.000000000e+00, v46  }
0xbb: {  	v57 =	vadd.s32 v40, v15;
	v58 =	vld [tilespmem:s31+$0xFFFFFFF0];
	[tilespmem:v47+s15+$0x0] =	vst.idx.msk $0xffff, v0;
	v0 =	vmul.f32 $8.000000000e+00, v49  }
0xbc: {  	v59 =	vadd.s32 v27, v12;
	v60 =	vld [tilespmem:s31+$0x30];
	[tilespmem:v3+s15+$0x0] =	vst.idx.msk $0xffff, v2;
	v2 =	vmul.f32 $8.000000000e+00, v50  }
0xbd: {  	v61 =	vadd.s32 v48, v13;
	v3 =	vmul.f32 $8.000000000e+00, v18;
	[tilespmem:v51+s15+$0x0] =	vst.idx.msk $0xffff, v0;
	v62 =	vld [tilespmem:s31+$0x70]  }
0xbe: {  	v14 =	vadd.s32 v52, v14;
	v0 =	vmul.f32 $8.000000000e+00, v54;
	v16 =	vld [tilespmem:s31+$0xB0];
	[tilespmem:v7+s15+$0x0] =	vst.idx.msk $0xffff, v2  }
0xbf: {  	[tilespmem:v55+s15+$0x0] =	vst.idx.msk $0xffff, v3;
	v2 =	vmul.f32 $8.000000000e+00, v9;
	v3 =	vadd.s32 v56, v11  }
0xc0: {  	v63 =	vadd.s32 v53, v10;
	[tilespmem:v57+s15+$0x0] =	vst.idx.msk $0xffff, v0;
	v0 =	vmul.f32 $8.000000000e+00, v58  }
0xc1: {  	[tilespmem:v59+s15+$0x0] =	vst.idx.msk $0xffff, v2;
	v2 =	vmul.f32 $8.000000000e+00, v60  }
0xc2: {  	s24 =	sshll.u32 s20, $0x13;
	[tilespmem:v61+s15+$0x0] =	vst.idx.msk $0xffff, v0;
	v0 =	vmul.f32 $8.000000000e+00, v62  }
0xc3: {  	s23 =	sor.u32 s4, s24;
	[tilespmem:v14+s15+$0x0] =	vst.idx.msk $0xffff, v2;
	v2 =	vmul.f32 $8.000000000e+00, v16  }
0xc4: {  	s23 =	sshrl.u32 s23, $0x3;
	[tilespmem:v3+s15+$0x0] =	vst.idx.msk $0xffff, v0  }
0xc5: {  	s25 =	simm.s32 $0xA400;
	s24 =	sadd.s32 s2, s23;
	[tilespmem:v63+s15+$0x0] =	vst.idx.msk $0xffff, v2  }
0xc6: {  	[hbm4b:s24+s3] =	stream.linear.scatter [tilespmem:s25], [sflag:$0x3], $0x80, $0x38;
	[tilespmem:$0xE800] =	vst v63  }
0xc7: {  	s26 =	simm.s32 $0xA488;
	s29 =	sadd.s32 $0x10, s24  }
0xc8: {  	[hbm4b:s29+s3] =	stream.linear.scatter [tilespmem:s26], [sflag:$0x3], $0x80, $0x38;
	[tilespmem:$0xE800] =	vst v63  }
0xc9: {  	s30 =	simm.s32 $0xA510;
	s23 =	simm.s32 $0x440;
	s31 =	sadd.s32 $0x20, s24  }
0xca: {  	[hbm4b:s31+s3] =	stream.linear.scatter [tilespmem:s30], [sflag:$0x3], $0x80, $0x38;
	[tilespmem:$0xE800] =	vst v63  }
0xcb: {  	s28 =	sadd.s32 $0x70, s24;
	s26 =	simm.s32 $0xA598;
	s29 =	sadd.s32 $0x30, s24  }
0xcc: {  	[hbm4b:s29+s3] =	stream.linear.scatter [tilespmem:s26], [sflag:$0x3], $0x80, $0x38;
	[tilespmem:$0xE800] =	vst v63  }
0xcd: {  	s25 =	simm.s32 $0x2200;
	s30 =	simm.s32 $0xA620;
	s31 =	sadd.s32 $0x40, s24  }
0xce: {  	[hbm4b:s31+s3] =	stream.linear.scatter [tilespmem:s30], [sflag:$0x3], $0x80, $0x38;
	[tilespmem:$0xE800] =	vst v63  }
0xcf: {  	s26 =	simm.s32 $0xA6A8;
	s29 =	sadd.s32 $0x50, s24;
	s30 =	simm.s32 $0xA730  }
0xd0: {  	[hbm4b:s29+s3] =	stream.linear.scatter [tilespmem:s26], [sflag:$0x3], $0x80, $0x38;
	[tilespmem:$0xE800] =	vst v63  }
0xd1: {  	s31 =	sadd.s32 $0x60, s24;
	s24 =	sadd.s32 $0x1000, s24;
	s26 =	simm.s32 $0xA7B8  }
0xd2: {  	[hbm4b:s31+s3] =	stream.linear.scatter [tilespmem:s30], [sflag:$0x3], $0x80, $0x38;
	[tilespmem:$0xE800] =	vst v63  }
.LBB2_5:
0xd3: {  	[hbm4b:s28+s3] =	stream.linear.scatter [tilespmem:s26], [sflag:$0x3], $0x80, $0x38;
	[tilespmem:$0xE800] =	vst v63  }
0xd4: {  	s26 =	smov.u32 s23;
	s23 =	smov.u32 s25  }
0xd5: {  	s29 =	sadd.s32 $0x1100, s25;
	s23 =	sshra.s32 s23, $0x2;
	s28 =	sadd.s32 $0xA400, s26  }
0xd6: {  	[hbm4b:s24+s3] =	stream.linear.scatter [tilespmem:s28], [sflag:$0x3], $0x80, $0x38;
	[tilespmem:$0xE800] =	vst v63  }
0xd7: {  	p0 =	sne.s32 s25, $0x7700;
	s25 =	sadd.s32 $0xA488, s26;
	s28 =	sadd.s32 $0x10, s24  }
0xd8: {  	[hbm4b:s28+s3] =	stream.linear.scatter [tilespmem:s25], [sflag:$0x3], $0x80, $0x38;
	[tilespmem:$0xE800] =	vst v63  }
0xd9: {  	s25 =	sadd.s32 $0xA510, s26;
	s28 =	sadd.s32 $0x20, s24  }
0xda: {  	[hbm4b:s28+s3] =	stream.linear.scatter [tilespmem:s25], [sflag:$0x3], $0x80, $0x38;
	[tilespmem:$0xE800] =	vst v63  }
0xdb: {  	s25 =	sadd.s32 $0xA598, s26;
	s28 =	sadd.s32 $0x30, s24  }
0xdc: {  	[hbm4b:s28+s3] =	stream.linear.scatter [tilespmem:s25], [sflag:$0x3], $0x80, $0x38;
	[tilespmem:$0xE800] =	vst v63  }
0xdd: {  	s25 =	sadd.s32 $0xA620, s26;
	s28 =	sadd.s32 $0x40, s24  }
0xde: {  	[hbm4b:s28+s3] =	stream.linear.scatter [tilespmem:s25], [sflag:$0x3], $0x80, $0x38;
	[tilespmem:$0xE800] =	vst v63  }
.Ltmp1:
0xdf: {  	s25 =	sadd.s32 $0xA6A8, s26;
	s28 =	sadd.s32 $0x50, s24;
	(pc) =	sbr.rel @p0 .LBB2_5-.Ltmp1, $4  }
0xe0: {  	[hbm4b:s28+s3] =	stream.linear.scatter [tilespmem:s25], [sflag:$0x3], $0x80, $0x38;
	[tilespmem:$0xE800] =	vst v63  }
0xe1: {  	s25 =	sadd.s32 $0xA730, s26;
	s28 =	sadd.s32 $0x60, s24;
	s26 =	sadd.s32 $0xA7B8, s26  }
0xe2: {  	[hbm4b:s28+s3] =	stream.linear.scatter [tilespmem:s25], [sflag:$0x3], $0x80, $0x38;
	[tilespmem:$0xE800] =	vst v63  }
0xe3: {  	s28 =	sadd.s32 $0x70, s24;
	s24 =	sadd.s32 $0x1000, s24;
	s25 =	smov.u32 s29  }
0xe4: {  	[hbm4b:s28+s3] =	stream.linear.scatter [tilespmem:s26], [sflag:$0x3], $0x80, $0x38;
	[tilespmem:$0xE800] =	vst v63  }
0xe5: {  	s25 =	sadd.s32 $0xA400, s23  }
0xe6: {  	[hbm4b:s24+s3] =	stream.linear.scatter [tilespmem:s25], [sflag:$0x3], $0x80, $0x38;
	[tilespmem:$0xE800] =	vst v63  }
0xe7: {  	s30 =	sadd.s32 $0xA488, s23;
	s31 =	sadd.s32 $0x10, s24  }
0xe8: {  	[hbm4b:s31+s3] =	stream.linear.scatter [tilespmem:s30], [sflag:$0x3], $0x80, $0x38;
	[tilespmem:$0xE800] =	vst v63  }
0xe9: {  	s28 =	sadd.s32 $0xA510, s23;
	s29 =	sadd.s32 $0x20, s24  }
0xea: {  	[hbm4b:s29+s3] =	stream.linear.scatter [tilespmem:s28], [sflag:$0x3], $0x80, $0x38;
	[tilespmem:$0xE800] =	vst v63  }
0xeb: {  	s30 =	sadd.s32 $0xA598, s23;
	s31 =	sadd.s32 $0x30, s24  }
0xec: {  	[hbm4b:s31+s3] =	stream.linear.scatter [tilespmem:s30], [sflag:$0x3], $0x80, $0x38;
	[tilespmem:$0xE800] =	vst v63  }
0xed: {  	s28 =	sadd.s32 $0xA620, s23;
	s29 =	sadd.s32 $0x40, s24  }
0xee: {  	[hbm4b:s29+s3] =	stream.linear.scatter [tilespmem:s28], [sflag:$0x3], $0x80, $0x38;
	[tilespmem:$0xE800] =	vst v63  }
0xef: {  	s30 =	sadd.s32 $0xA6A8, s23;
	s31 =	sadd.s32 $0x50, s24  }
0xf0: {  	[hbm4b:s31+s3] =	stream.linear.scatter [tilespmem:s30], [sflag:$0x3], $0x80, $0x38;
	[tilespmem:$0xE800] =	vst v63  }
0xf1: {  	s28 =	sadd.s32 $0xA730, s23;
	s29 =	sadd.s32 $0x60, s24  }
0xf2: {  	[hbm4b:s29+s3] =	stream.linear.scatter [tilespmem:s28], [sflag:$0x3], $0x80, $0x38;
	[tilespmem:$0xE800] =	vst v63  }
0xf3: {  	s30 =	sadd.s32 $0xA7B8, s23;
	s31 =	sadd.s32 $0x70, s24  }
0xf4: {  	[hbm4b:s31+s3] =	stream.linear.scatter [tilespmem:s30], [sflag:$0x3], $0x80, $0x38;
	[tilespmem:$0xE800] =	vst v63  }
0xf5: {  	_ =	swait.ge [sflag:s16], $0x2000  }
0xf6: {  	v63 =	vld [tilespmem:$0x1FCC0]  }
0xf7: {  	v41 =	vld [tilespmem:$0x1FCD0]  }
0xf8: {  	v55 =	vld [tilespmem:$0x1FCF0]  }
0xf9: {  	v45 =	vld [tilespmem:$0x1FD00]  }
0xfa: {  	p0 =	seq.s32 s20, $0x63;
	v19 =	vld [tilespmem:$0x1FD30]  }
0xfb: {  	s22 =	sshll.u32 @!p0 s22, $0x7;
	v46 =	vld [tilespmem:$0x1FD50]  }
0xfc: {  	s26 =	simm.s32 $0x2;
	p1 =	seq.s32 @!p0 s20, $0x0;
	s22 =	sadd.s32 @!p0 $0x100, s22;
	v60 =	vld [tilespmem:$0x1FD80]  }
0xfd: {  	s25 =	simm.s32 $0x1;
	s22 =	sand.u32 @!p0 $0xFF00, s22;
	s23 =	simm.s32 @!p0 $0x80;
	v57 =	vld [tilespmem:$0x1FD90]  }
0xfe: {  	v3 =	vmov s26;
	s24 =	simm.s32 @!p0 $0x6400;
	s28 =	simm.s32 $0x3;
	[sflag:s16] =	ssyncset.done $0x0;
	v52 =	vld [tilespmem:$0x1FDB0]  }
0xff: {  	v3 =	vshrl.u32 v3, $0x3;
	v2 =	vmov s25;
	s29 =	simm.s32 $0x4;
	s31 =	simm.s32 $0x6;
	v61 =	vld [tilespmem:$0x1FDC0];
	[sflag:s16] =	ssyncadd.s32 $0xFFFFE000  }
0x100: {  	v2 =	vshrl.u32 v2, $0x3;
	v4 =	vmov s28;
	v5 =	vmov s29;
	v62 =	vld [tilespmem:$0x1FDD0];
	[tilespmem:s24], [sflag:$0x1] =	stream.indirect.gather @!p0 [hbm4b:s5+s23], $0x40, s22, s23, $0xb8  }
0x101: {  	v4 =	vshrl.u32 v4, $0x3;
	v5 =	vshrl.u32 v5, $0x3;
	v7 =	vmov s31;
	v58 =	vld [tilespmem:$0x1FF80];
	p0 =	por p0, !p1;
	s24 =	simm.s32 $0x0;
	s23 =	simm.s32 $0x7  }
0x102: {  	v4 =	vshll.u32 v4, v1;
	v54 =	vld [tilespmem:$0x1FFD0];
	_ =	swait.ge @p0 [sflag:s18], $0x2000;
	v0 =	vmov s24;
	v8 =	vmov s23  }
0x103: {  	v13 =	vshll.u32 v5, v1;
	[sflag:s18] =	ssyncset.done @p0 $0x0;
	v0 =	vshrl.u32 v0, $0x3;
	v8 =	vshrl.u32 v8, $0x3;
	v40 =	vld [tilespmem:$0x1FCB0]  }
0x104: {  	v5 =	vbroadcast v4, $0x0;
	s22 =	simm.s32 $0x85F0;
	v4 =	vld [tilespmem:$0x1FD70];
	[sflag:s18] =	ssyncadd.s32 @p0 $0xFFFFE000;
	v0 =	vshll.u32 v0, v1;
	v8 =	vshll.u32 v8, v1  }
0x105: {  	s30 =	simm.s32 $0x5;
	v11 =	vshrl.u32 v7, $0x3;
	v7 =	vbroadcast v0, $0x0;
	v0 =	vld [tilespmem:s22+$0xFFFFFFD0];
	v9 =	vbroadcast v8, $0x0  }
0x106: {  	v3 =	vshll.u32 v3, v1;
	v2 =	vshll.u32 v2, v1;
	v6 =	vmov s30;
	v12 =	vld [tilespmem:s22+$0xFFFFFE10]  }
0x107: {  	v10 =	vbroadcast v2, $0x0;
	v6 =	vshrl.u32 v6, $0x3;
	v14 =	vld [tilespmem:s22+$0xFFFFFE50];
	v15 =	vadd.s32 v54, v9  }
0x108: {  	v2 =	vshll.u32 v6, v1;
	v16 =	vld [tilespmem:s22+$0xFFFFFE90];
	v8 =	vbroadcast v3, $0x0;
	v6 =	vadd.s32 v40, v7  }
0x109: {  	v17 =	vadd.s32 v55, v10;
	v18 =	vld [tilespmem:s22+$0xFFFFFED0]  }
0x10a: {  	v20 =	vld [tilespmem:s22+$0xFFFFFF10];
	v3 =	vbroadcast v13, $0x0;
	v19 =	vadd.s32 v19, v8;
	v0 =	vmul.f32 $8.000000000e+00, v0  }
0x10b: {  	v13 =	vadd.s32 v4, v5;
	v12 =	vmul.f32 $8.000000000e+00, v12  }
0x10c: {  	v22 =	vadd.s32 v52, v3;
	v14 =	vmul.f32 $8.000000000e+00, v14;
	[tilespmem:v15+s15+$0x0] =	vst.idx.msk $0xffff, v0  }
0x10d: {  	v21 =	vld [tilespmem:s22+$0xFFFFFF50];
	v0 =	vmul.f32 $8.000000000e+00, v16;
	[tilespmem:v6+s15+$0x0] =	vst.idx.msk $0xffff, v12  }
0x10e: {  	v33 =	vld [tilespmem:$0x1FDE0];
	[tilespmem:v17+s15+$0x0] =	vst.idx.msk $0xffff, v14;
	v14 =	vmul.f32 $8.000000000e+00, v18  }
0x10f: {  	v11 =	vshll.u32 v11, v1;
	v23 =	vld [tilespmem:s22+$0xFFFFFF90];
	[tilespmem:v19+s15+$0x0] =	vst.idx.msk $0xffff, v0;
	v0 =	vmul.f32 $8.000000000e+00, v20  }
0x110: {  	v4 =	vbroadcast v2, $0x0;
	v2 =	vbroadcast v11, $0x0;
	v18 =	vld [tilespmem:$0x1FFE0];
	[tilespmem:v13+s15+$0x0] =	vst.idx.msk $0xffff, v14  }
0x111: {  	v12 =	vld [tilespmem:s22+$0xFFFFFE20];
	[tilespmem:v22+s15+$0x0] =	vst.idx.msk $0xffff, v0  }
0x112: {  	v15 =	vadd.s32 v58, v2;
	v51 =	vld [tilespmem:$0x1FD40]  }
0x113: {  	v11 =	vld [tilespmem:s22+$0xFFFFFFE0];
	v6 =	vadd.s32 v33, v4  }
0x114: {  	v19 =	vadd.s32 v63, v7;
	v17 =	vld [tilespmem:s22+$0xFFFFFE60]  }
0x115: {  	v20 =	vld [tilespmem:s22+$0xFFFFFEA0];
	v0 =	vmul.f32 $8.000000000e+00, v23;
	v55 =	vmov v18;
	v18 =	vadd.s32 v18, v9  }
0x116: {  	v13 =	vmul.f32 $8.000000000e+00, v21;
	v21 =	vadd.s32 v45, v10  }
0x117: {  	[tilespmem:v15+s15+$0x0] =	vst.idx.msk $0xffff, v0;
	v12 =	vmul.f32 $8.000000000e+00, v12;
	v23 =	vadd.s32 v51, v8  }
0x118: {  	v24 =	vld [tilespmem:s22+$0xFFFFFEE0];
	[tilespmem:v6+s15+$0x0] =	vst.idx.msk $0xffff, v13;
	v6 =	vmul.f32 $8.000000000e+00, v11  }
0x119: {  	v25 =	vld [tilespmem:s22+$0xFFFFFF20];
	v15 =	vmul.f32 $8.000000000e+00, v17;
	[tilespmem:v19+s15+$0x0] =	vst.idx.msk $0xffff, v12  }
0x11a: {  	v12 =	vmul.f32 $8.000000000e+00, v20;
	v28 =	vld [tilespmem:s22+$0xFFFFFE30];
	[tilespmem:v18+s15+$0x0] =	vst.idx.msk $0xffff, v6  }
0x11b: {  	v34 =	vld [tilespmem:$0x1FDF0];
	[tilespmem:v21+s15+$0x0] =	vst.idx.msk $0xffff, v15  }
0x11c: {  	v13 =	vadd.s32 v60, v5;
	v21 =	vld [tilespmem:$0x1FFA0];
	[tilespmem:v23+s15+$0x0] =	vst.idx.msk $0xffff, v12  }
0x11d: {  	v17 =	vadd.s32 v61, v3;
	v23 =	vld [tilespmem:$0x1FFF0]  }
0x11e: {  	v26 =	vld [tilespmem:s22+$0xFFFFFF60]  }
0x11f: {  	v27 =	vld [tilespmem:s22+$0xFFFFFFA0];
	v15 =	vmul.f32 $8.000000000e+00, v24;
	v12 =	vmul.f32 $8.000000000e+00, v25;
	v25 =	vadd.s32 v41, v7  }
0x120: {  	s29 =	simm.s32 $0xC;
	v19 =	vld [tilespmem:s22+$0xFFFFFFF0];
	v18 =	vadd.s32 v34, v4  }
0x121: {  	v0 =	vmov s29;
	[tilespmem:v13+s15+$0x0] =	vst.idx.msk $0xffff, v15;
	v50 =	vmov v21;
	v21 =	vadd.s32 v21, v2  }
0x122: {  	v47 =	vld [tilespmem:$0x1FD10];
	[tilespmem:v17+s15+$0x0] =	vst.idx.msk $0xffff, v12;
	v12 =	vshrl.u32 v0, $0x3;
	v0 =	vmul.f32 $8.000000000e+00, v28;
	v49 =	vmovc v23;
	v23 =	vadd.s32 v23, v9  }
0x123: {  	s28 =	simm.s32 $0xB;
	v13 =	vmul.f32 $8.000000000e+00, v26  }
0x124: {  	v11 =	vmov s28;
	v17 =	vmul.f32 $8.000000000e+00, v27;
	[tilespmem:v25+s15+$0x0] =	vst.idx.msk $0xffff, v0  }
0x125: {  	s26 =	simm.s32 $0xA;
	v24 =	vld [tilespmem:s22+$0xFFFFFE70];
	v27 =	vshrl.u32 v11, $0x3;
	v11 =	vmul.f32 $8.000000000e+00, v19;
	[tilespmem:v18+s15+$0x0] =	vst.idx.msk $0xffff, v13  }
0x126: {  	v22 =	vmov s26;
	[tilespmem:v21+s15+$0x0] =	vst.idx.msk $0xffff, v17  }
0x127: {  	v15 =	vshrl.u32 v22, $0x3;
	v22 =	vadd.s32 v47, v10;
	[tilespmem:v23+s15+$0x0] =	vst.idx.msk $0xffff, v11  }
0x128: {  	s30 =	simm.s32 $0xD;
	v0 =	vld [tilespmem:$0x1FF40]  }
0x129: {  	v6 =	vmov s30  }
0x12a: {  	v13 =	vshrl.u32 v6, $0x3;
	v6 =	vmul.f32 $8.000000000e+00, v24  }
0x12b: {  	v29 =	vld [tilespmem:s22+$0xFFFFFEB0]  }
0x12c: {  	[tilespmem:v22+s15+$0x0] =	vst.idx.msk $0xffff, v6  }
0x12d: {  	v30 =	vadd.s32 v46, v8;
	v56 =	vmov v0;
	v25 =	vadd.s32 v0, v4;
	v0 =	vld [tilespmem:$0x1FFB0]  }
0x12e: {  	v26 =	vld [tilespmem:s22+$0xFFFFFEF0]  }
0x12f: {  	v31 =	vld [tilespmem:s22+$0xFFFFFF30]  }
0x130: {  	s31 =	simm.s32 $0xE;
	v19 =	vld [tilespmem:s22+$0xFFFFFE40];
	v17 =	vmul.f32 $8.000000000e+00, v29  }
0x131: {  	v20 =	vmov s31;
	v18 =	vadd.s32 v57, v5;
	v28 =	vld [tilespmem:s22+$0xFFFFFF70]  }
0x132: {  	v11 =	vshrl.u32 v20, $0x3;
	v53 =	vmov v0;
	v20 =	vadd.s32 v0, v2;
	v0 =	vld [tilespmem:$0x1FE00];
	[tilespmem:v30+s15+$0x0] =	vst.idx.msk $0xffff, v17  }
0x133: {  	v24 =	vadd.s32 v62, v3;
	v43 =	vld [tilespmem:$0x1FCE0]  }
0x134: {  	v32 =	vld [tilespmem:s22+$0xFFFFFFB0]  }
0x135: {  	v26 =	vmul.f32 $8.000000000e+00, v26;
	v48 =	vld [tilespmem:s22+$0x0]  }
0x136: {  	v59 =	vmul.f32 $8.000000000e+00, v31;
	v21 =	vld [tilespmem:s22+$0xFFFFFE80]  }
0x137: {  	v23 =	vld [tilespmem:s22+$0xFFFFFEC0];
	[tilespmem:v18+s15+$0x0] =	vst.idx.msk $0xffff, v26  }
0x138: {  	v0 =	vadd.s32 $0x3B87, v0;
	v17 =	vadd.s32 v43, v7;
	v7 =	vld [tilespmem:$0x1FD20];
	[tilespmem:v24+s15+$0x0] =	vst.idx.msk $0xffff, v59  }
0x139: {  	s24 =	simm.s32 $0x8;
	v26 =	vmul.f32 $8.000000000e+00, v28;
	v22 =	vadd.s32 v0, v9;
	v9 =	vld [tilespmem:$0x1FD60]  }
0x13a: {  	s25 =	simm.s32 $0x9;
	v16 =	vmov s24;
	v18 =	vld [tilespmem:s22+$0xFFFFFF00]  }
0x13b: {  	v16 =	vshrl.u32 v16, $0x3;
	v14 =	vmov s25;
	v24 =	vld [tilespmem:s22+$0xFFFFFF40];
	[tilespmem:v25+s15+$0x0] =	vst.idx.msk $0xffff, v26  }
0x13c: {  	v16 =	vshll.u32 v16, v1;
	v14 =	vshrl.u32 v14, $0x3;
	v59 =	vld [tilespmem:$0x1FDA0]  }
0x13d: {  	v6 =	vbroadcast v16, $0x0;
	v16 =	vshll.u32 v14, v1;
	v52 =	vld [tilespmem:$0x1FF60]  }
0x13e: {  	v14 =	vshll.u32 v15, v1;
	v9 =	vadd.s32 v9, v8;
	v8 =	vmul.f32 $8.000000000e+00, v48;
	v48 =	vld [tilespmem:$0x1FF20]  }
0x13f: {  	s23 =	simm.s32 $0x10;
	s24 =	simm.s32 $0xF;
	v15 =	vshll.u32 v27, v1;
	v42 =	vld [tilespmem:$0x1FFC0];
	v10 =	vadd.s32 v7, v10;
	v7 =	vmul.f32 $8.000000000e+00, v32  }
.LBB2_7:
0x140: {  	_ =	sdelay $0x1  }
0x141: {  	[tilespmem:v20+s15+$0x0] =	vst.idx.msk $0xffff, v7;
	v19 =	vmul.f32 $8.000000000e+00, v19  }
0x142: {  	v3 =	vadd.s32 v48, v3;
	v20 =	vmul.f32 $8.000000000e+00, v21;
	v21 =	vld [tilespmem:s22+$0xFFFFFFC0]  }
0x143: {  	[tilespmem:v17+s15+$0x0] =	vst.idx.msk $0xffff, v19;
	v17 =	vmul.f32 $8.000000000e+00, v23  }
0x144: {  	v2 =	vadd.s32 v42, v2  }
0x145: {  	v25 =	vmov s24;
	[tilespmem:v9+s15+$0x0] =	vst.idx.msk $0xffff, v17;
	v17 =	vmul.f32 $8.000000000e+00, v24  }
0x146: {  	v5 =	vadd.s32 v59, v5;
	v26 =	vld [tilespmem:s22+$0xFFFFFF80];
	v7 =	vmov v6;
	v6 =	vshrl.u32 v25, $0x3  }
0x147: {  	v6 =	vshll.u32 v6, v1;
	s22 =	sadd.s32 $0x200, s22;
	v9 =	vbroadcast v14, $0x0;
	v14 =	vmul.f32 $8.000000000e+00, v21;
	[tilespmem:v3+s15+$0x0] =	vst.idx.msk $0xffff, v17;
	v3 =	vld [tilespmem:$0x1FCF0]  }
0x148: {  	[tilespmem:v22+s15+$0x0] =	vst.idx.msk $0xffff, v8;
	v8 =	vbroadcast v6, $0x0;
	v6 =	vmul.f32 $8.000000000e+00, v18;
	v18 =	vld [tilespmem:s22+$0xFFFFFE10]  }
0x149: {  	[tilespmem:v2+s15+$0x0] =	vst.idx.msk $0xffff, v14;
	v2 =	vld [tilespmem:$0x1FD70]  }
0x14a: {  	[tilespmem:v10+s15+$0x0] =	vst.idx.msk $0xffff, v20;
	v10 =	vbroadcast v16, $0x0  }
0x14b: {  	v19 =	vld [tilespmem:s22+$0xFFFFFFD0]  }
0x14c: {  	v4 =	vadd.s32 v52, v4;
	[tilespmem:v5+s15+$0x0] =	vst.idx.msk $0xffff, v6;
	v5 =	vbroadcast v15, $0x0;
	v17 =	vadd.s32 v3, v10;
	v3 =	vld [tilespmem:$0x1FD30]  }
0x14d: {  	v20 =	vld [tilespmem:s22+$0xFFFFFE50]  }
0x14e: {  	v16 =	vadd.s32 v54, v8;
	v14 =	vmul.f32 $8.000000000e+00, v18;
	v18 =	vadd.s32 v2, v5;
	v2 =	vld [tilespmem:$0x1FDB0]  }
0x14f: {  	v22 =	vadd.s32 v40, v7;
	v6 =	vmul.f32 $8.000000000e+00, v26;
	v23 =	vld [tilespmem:s22+$0xFFFFFE90]  }
0x150: {  	v12 =	vshll.u32 v12, v1;
	v13 =	vshll.u32 v13, v1;
	v21 =	vld [tilespmem:s22+$0xFFFFFED0]  }
0x151: {  	[tilespmem:v4+s15+$0x0] =	vst.idx.msk $0xffff, v6;
	v15 =	vld [tilespmem:s22+$0xFFFFFF10];
	v6 =	vadd.s32 v3, v9;
	v3 =	vbroadcast v12, $0x0;
	v12 =	vmul.f32 $8.000000000e+00, v19  }
0x152: {  	v11 =	vshll.u32 v11, v1;
	v4 =	vbroadcast v13, $0x0;
	v19 =	vld [tilespmem:s22+$0xFFFFFF50]  }
0x153: {  	v13 =	vmul.f32 $8.000000000e+00, v20;
	v24 =	vld [tilespmem:s22+$0xFFFFFF90];
	v20 =	vadd.s32 v2, v3;
	v2 =	vbroadcast v11, $0x0;
	[tilespmem:v16+s15+$0x0] =	vst.idx.msk $0xffff, v12  }
0x154: {  	[tilespmem:v22+s15+$0x0] =	vst.idx.msk $0xffff, v14;
	v11 =	vmul.f32 $8.000000000e+00, v23;
	v12 =	vadd.s32 v33, v4;
	v14 =	vld [tilespmem:s22+$0xFFFFFFE0]  }
0x155: {  	[tilespmem:v17+s15+$0x0] =	vst.idx.msk $0xffff, v13;
	v13 =	vmul.f32 $8.000000000e+00, v21;
	v16 =	vld [tilespmem:s22+$0xFFFFFE20];
	v17 =	vadd.s32 v58, v2  }
0x156: {  	v21 =	vmov s23;
	v22 =	vld [tilespmem:s22+$0xFFFFFE60];
	[tilespmem:v6+s15+$0x0] =	vst.idx.msk $0xffff, v11;
	v6 =	vmul.f32 $8.000000000e+00, v15;
	v11 =	vadd.s32 v55, v8  }
0x157: {  	[tilespmem:v18+s15+$0x0] =	vst.idx.msk $0xffff, v13;
	v15 =	vshrl.u32 v21, $0x3;
	v21 =	vadd.s32 v63, v7;
	v13 =	vmul.f32 $8.000000000e+00, v19;
	v23 =	vld [tilespmem:s22+$0xFFFFFEA0]  }
0x158: {  	v25 =	vld [tilespmem:s22+$0xFFFFFEE0];
	v19 =	vadd.s32 v45, v10;
	[tilespmem:v20+s15+$0x0] =	vst.idx.msk $0xffff, v6;
	v6 =	vmul.f32 $8.000000000e+00, v24  }
0x159: {  	v24 =	vadd.s32 v51, v9;
	[tilespmem:v12+s15+$0x0] =	vst.idx.msk $0xffff, v13;
	v26 =	vld [tilespmem:s22+$0xFFFFFF20];
	v12 =	vmul.f32 $8.000000000e+00, v14  }
0x15a: {  	v14 =	vmul.f32 $8.000000000e+00, v16;
	v16 =	vadd.s32 v60, v5;
	v27 =	vld [tilespmem:s22+$0xFFFFFF60];
	[tilespmem:v17+s15+$0x0] =	vst.idx.msk $0xffff, v6  }
0x15b: {  	v17 =	vmul.f32 $8.000000000e+00, v22;
	v22 =	vadd.s32 v61, v3;
	v28 =	vld [tilespmem:s22+$0xFFFFFFA0];
	[tilespmem:v11+s15+$0x0] =	vst.idx.msk $0xffff, v12  }
0x15c: {  	[tilespmem:v21+s15+$0x0] =	vst.idx.msk $0xffff, v14;
	v14 =	vadd.s32 v34, v4;
	v12 =	vmul.f32 $8.000000000e+00, v23;
	v21 =	vld [tilespmem:s22+$0xFFFFFFF0]  }
0x15d: {  	v29 =	vld [tilespmem:s22+$0xFFFFFE30];
	[tilespmem:v19+s15+$0x0] =	vst.idx.msk $0xffff, v17;
	v17 =	vmul.f32 $8.000000000e+00, v25;
	v19 =	vadd.s32 v50, v2  }
0x15e: {  	s26 =	sadd.s32 $0x2, s23;
	v25 =	vld [tilespmem:s22+$0xFFFFFE70];
	[tilespmem:v24+s15+$0x0] =	vst.idx.msk $0xffff, v12;
	v12 =	vmul.f32 $8.000000000e+00, v26;
	v24 =	vadd.s32 v49, v8  }
0x15f: {  	v20 =	vmov s26;
	v26 =	vadd.s32 v41, v7;
	[tilespmem:v16+s15+$0x0] =	vst.idx.msk $0xffff, v17;
	v16 =	vmul.f32 $8.000000000e+00, v27;
	v30 =	vld [tilespmem:s22+$0xFFFFFEB0]  }
0x160: {  	s29 =	sadd.s32 $0x4, s23;
	v27 =	vshrl.u32 v20, $0x3;
	v17 =	vadd.s32 v47, v10;
	v20 =	vld [tilespmem:s22+$0xFFFFFEF0];
	[tilespmem:v22+s15+$0x0] =	vst.idx.msk $0xffff, v12;
	v22 =	vmul.f32 $8.000000000e+00, v28  }
0x161: {  	v6 =	vmov s29;
	[tilespmem:v14+s15+$0x0] =	vst.idx.msk $0xffff, v16;
	v32 =	vld [tilespmem:s22+$0xFFFFFF30];
	v14 =	vmul.f32 $8.000000000e+00, v21  }
0x162: {  	v31 =	vadd.s32 v46, v9;
	v12 =	vshrl.u32 v6, $0x3;
	v6 =	vmul.f32 $8.000000000e+00, v29;
	v33 =	vld [tilespmem:s22+$0xFFFFFF70];
	[tilespmem:v19+s15+$0x0] =	vst.idx.msk $0xffff, v22  }
0x163: {  	s25 =	sadd.s32 $0x1, s23;
	v16 =	vmul.f32 $8.000000000e+00, v25;
	v34 =	vld [tilespmem:s22+$0xFFFFFFB0];
	[tilespmem:v24+s15+$0x0] =	vst.idx.msk $0xffff, v14  }
0x164: {  	v18 =	vmov s25;
	[tilespmem:v26+s15+$0x0] =	vst.idx.msk $0xffff, v6;
	v14 =	vmul.f32 $8.000000000e+00, v30;
	v30 =	vld [tilespmem:s22+$0x0]  }
0x165: {  	s28 =	sadd.s32 $0x3, s23;
	s30 =	sadd.s32 $0x5, s23;
	v18 =	vshrl.u32 v18, $0x3;
	v29 =	vadd.s32 v57, v5;
	v19 =	vld [tilespmem:s22+$0xFFFFFE40];
	[tilespmem:v17+s15+$0x0] =	vst.idx.msk $0xffff, v16  }
0x166: {  	s31 =	sadd.s32 $0x6, s23;
	v15 =	vshll.u32 v15, v1;
	v13 =	vmov s28;
	v11 =	vmov s30;
	v21 =	vld [tilespmem:s22+$0xFFFFFE80]  }
0x167: {  	v23 =	vmov s31;
	v28 =	vshrl.u32 v13, $0x3;
	v25 =	vadd.s32 v62, v3;
	[tilespmem:v31+s15+$0x0] =	vst.idx.msk $0xffff, v14;
	v31 =	vld [tilespmem:$0x1FD20]  }
0x168: {  	p0 =	slt.u32 s23, $0x78;
	v26 =	vadd.s32 v56, v4;
	v24 =	vmul.f32 $8.000000000e+00, v20;
	v14 =	vshll.u32 v27, v1;
	v27 =	vld [tilespmem:$0x1FD60]  }
.Ltmp2:
0x169: {  	v13 =	vshrl.u32 v11, $0x3;
	v22 =	vadd.s32 v0, v8;
	v8 =	vmul.f32 $8.000000000e+00, v33;
	v33 =	vld [tilespmem:$0x1FDE0];
	(pc) =	sbr.rel @p0 .LBB2_7-.Ltmp2, $4  }
0x16a: {  	v11 =	vshrl.u32 v23, $0x3;
	v6 =	vbroadcast v15, $0x0;
	v15 =	vmul.f32 $8.000000000e+00, v32;
	[tilespmem:v29+s15+$0x0] =	vst.idx.msk $0xffff, v24;
	v23 =	vld [tilespmem:s22+$0xFFFFFEC0]  }
0x16b: {  	v20 =	vadd.s32 v53, v2;
	v16 =	vshll.u32 v18, v1;
	v18 =	vld [tilespmem:s22+$0xFFFFFF00]  }
0x16c: {  	v17 =	vadd.s32 v43, v7;
	[tilespmem:v25+s15+$0x0] =	vst.idx.msk $0xffff, v15;
	v7 =	vmul.f32 $8.000000000e+00, v34;
	v34 =	vld [tilespmem:$0x1FDF0];
	v15 =	vshll.u32 v28, v1  }
0x16d: {  	s24 =	sadd.s32 $0x7, s23;
	s23 =	sadd.s32 $0x8, s23;
	[tilespmem:v26+s15+$0x0] =	vst.idx.msk $0xffff, v8;
	v24 =	vld [tilespmem:s22+$0xFFFFFF40];
	v8 =	vmul.f32 $8.000000000e+00, v30;
	v10 =	vadd.s32 v31, v10;
	v9 =	vadd.s32 v27, v9  }
0x16e: {  	_ =	sdelay $0x3  }
0x16f: {  	v19 =	vmul.f32 $8.000000000e+00, v19;
	v5 =	vadd.s32 v59, v5;
	v26 =	vld [tilespmem:s22+$0xFFFFFF80];
	[tilespmem:v20+s15+$0x0] =	vst.idx.msk $0xffff, v7  }
0x170: {  	v32 =	vmul.f32 $8.000000000e+00, v21;
	v3 =	vadd.s32 v48, v3;
	v21 =	vld [tilespmem:s22+$0xFFFFFFC0];
	[tilespmem:v22+s15+$0x0] =	vst.idx.msk $0xffff, v8  }
0x171: {  	v25 =	vmov s24;
	v4 =	vadd.s32 v52, v4;
	v23 =	vmul.f32 $8.000000000e+00, v23;
	[tilespmem:v17+s15+$0x0] =	vst.idx.msk $0xffff, v19  }
0x172: {  	s26 =	sadd.s32 $0x200, s22;
	v2 =	vadd.s32 v42, v2;
	v25 =	vshrl.u32 v25, $0x3;
	v18 =	vmul.f32 $8.000000000e+00, v18;
	[tilespmem:v10+s15+$0x0] =	vst.idx.msk $0xffff, v32  }
0x173: {  	v8 =	vld [tilespmem:s26+$0xFFFFFE50];
	v7 =	vshll.u32 v25, v1;
	[tilespmem:v9+s15+$0x0] =	vst.idx.msk $0xffff, v23;
	v25 =	vmul.f32 $8.000000000e+00, v24  }
0x174: {  	v17 =	vld [tilespmem:s26+$0xFFFFFFD0];
	v32 =	vmul.f32 $8.000000000e+00, v26;
	[tilespmem:v5+s15+$0x0] =	vst.idx.msk $0xffff, v18  }
0x175: {  	v10 =	vld [tilespmem:s26+$0xFFFFFE10];
	v21 =	vmul.f32 $8.000000000e+00, v21;
	[tilespmem:v3+s15+$0x0] =	vst.idx.msk $0xffff, v25  }
0x176: {  	v3 =	vld [tilespmem:$0x1FCF0];
	[tilespmem:v4+s15+$0x0] =	vst.idx.msk $0xffff, v32  }
0x177: {  	v4 =	vld [tilespmem:$0x1FD30];
	[tilespmem:v2+s15+$0x0] =	vst.idx.msk $0xffff, v21  }
0x178: {  	v7 =	vbroadcast v7, $0x0;
	v25 =	vld [tilespmem:$0x1FD70]  }
0x179: {  	v12 =	vshll.u32 v12, v1;
	v9 =	vbroadcast v16, $0x0;
	v5 =	vadd.s32 v40, v6;
	v22 =	vld [tilespmem:$0x1FDB0]  }
0x17a: {  	v13 =	vshll.u32 v13, v1;
	v14 =	vbroadcast v14, $0x0;
	v16 =	vadd.s32 v54, v7;
	v40 =	vld [tilespmem:s26+$0xFFFFFE90]  }
0x17b: {  	v15 =	vbroadcast v15, $0x0;
	v11 =	vshll.u32 v11, v1;
	v54 =	vld [tilespmem:s26+$0xFFFFFED0];
	v3 =	vadd.s32 v3, v9  }
0x17c: {  	v12 =	vbroadcast v12, $0x0;
	v24 =	vld [tilespmem:s26+$0xFFFFFF10];
	v2 =	vmul.f32 $8.000000000e+00, v10;
	v4 =	vadd.s32 v4, v14  }
0x17d: {  	v13 =	vbroadcast v13, $0x0;
	v26 =	vld [tilespmem:s26+$0xFFFFFF50];
	v17 =	vmul.f32 $8.000000000e+00, v17;
	v10 =	vadd.s32 v25, v15  }
0x17e: {  	v11 =	vbroadcast v11, $0x0;
	v8 =	vmul.f32 $8.000000000e+00, v8;
	v32 =	vld [tilespmem:s26+$0xFFFFFF90];
	[tilespmem:v5+s15+$0x0] =	vst.idx.msk $0xffff, v2;
	v22 =	vadd.s32 v22, v12  }
0x17f: {  	[tilespmem:v16+s15+$0x0] =	vst.idx.msk $0xffff, v17;
	v2 =	vmul.f32 $8.000000000e+00, v40;
	v5 =	vadd.s32 v33, v13;
	v40 =	vld [tilespmem:s26+$0xFFFFFE20]  }
0x180: {  	v16 =	vld [tilespmem:s26+$0xFFFFFFE0];
	[tilespmem:v3+s15+$0x0] =	vst.idx.msk $0xffff, v8;
	v3 =	vmul.f32 $8.000000000e+00, v54;
	v8 =	vadd.s32 v58, v11  }
0x181: {  	v63 =	vadd.s32 v63, v6;
	v54 =	vld [tilespmem:s26+$0xFFFFFE60];
	[tilespmem:v4+s15+$0x0] =	vst.idx.msk $0xffff, v2;
	v2 =	vmul.f32 $8.000000000e+00, v24  }
0x182: {  	v58 =	vadd.s32 v55, v7;
	v24 =	vld [tilespmem:s26+$0xFFFFFEA0];
	[tilespmem:v10+s15+$0x0] =	vst.idx.msk $0xffff, v3;
	v3 =	vmul.f32 $8.000000000e+00, v26  }
0x183: {  	v25 =	vadd.s32 v45, v9;
	v26 =	vld [tilespmem:s26+$0xFFFFFEE0];
	[tilespmem:v22+s15+$0x0] =	vst.idx.msk $0xffff, v2;
	v2 =	vmul.f32 $8.000000000e+00, v32  }
0x184: {  	v40 =	vmul.f32 $8.000000000e+00, v40;
	v32 =	vadd.s32 v51, v14;
	v33 =	vld [tilespmem:s26+$0xFFFFFF20];
	[tilespmem:v5+s15+$0x0] =	vst.idx.msk $0xffff, v3  }
0x185: {  	v45 =	vadd.s32 v60, v15;
	v3 =	vmul.f32 $8.000000000e+00, v16;
	v51 =	vld [tilespmem:s26+$0xFFFFFF60];
	[tilespmem:v8+s15+$0x0] =	vst.idx.msk $0xffff, v2  }
0x186: {  	[tilespmem:v63+s15+$0x0] =	vst.idx.msk $0xffff, v40;
	v2 =	vmul.f32 $8.000000000e+00, v54;
	v54 =	vadd.s32 v61, v12;
	v55 =	vld [tilespmem:s26+$0xFFFFFFA0]  }
0x187: {  	v19 =	vld [tilespmem:s26+$0xFFFFFE30];
	[tilespmem:v58+s15+$0x0] =	vst.idx.msk $0xffff, v3;
	v58 =	vadd.s32 v34, v13;
	v3 =	vmul.f32 $8.000000000e+00, v24  }
0x188: {  	v61 =	vadd.s32 v50, v11;
	v60 =	vld [tilespmem:s26+$0xFFFFFFF0];
	[tilespmem:v25+s15+$0x0] =	vst.idx.msk $0xffff, v2;
	v2 =	vmul.f32 $8.000000000e+00, v26  }
0x189: {  	v25 =	vadd.s32 v41, v6;
	v63 =	vld [tilespmem:s26+$0xFFFFFE70];
	[tilespmem:v32+s15+$0x0] =	vst.idx.msk $0xffff, v3;
	v3 =	vmul.f32 $8.000000000e+00, v33  }
0x18a: {  	v24 =	vadd.s32 v49, v7;
	v26 =	vld [tilespmem:s26+$0xFFFFFEB0];
	[tilespmem:v45+s15+$0x0] =	vst.idx.msk $0xffff, v2;
	v2 =	vmul.f32 $8.000000000e+00, v51  }
0x18b: {  	v32 =	vadd.s32 v47, v9;
	v33 =	vld [tilespmem:s26+$0xFFFFFEF0];
	[tilespmem:v54+s15+$0x0] =	vst.idx.msk $0xffff, v3;
	v3 =	vmul.f32 $8.000000000e+00, v55  }
0x18c: {  	v34 =	vadd.s32 v46, v14;
	v41 =	vmul.f32 $8.000000000e+00, v19;
	v40 =	vld [tilespmem:s26+$0xFFFFFF30];
	[tilespmem:v58+s15+$0x0] =	vst.idx.msk $0xffff, v2  }
0x18d: {  	v45 =	vadd.s32 v57, v15;
	v2 =	vmul.f32 $8.000000000e+00, v60;
	v46 =	vld [tilespmem:s26+$0xFFFFFF70];
	[tilespmem:v61+s15+$0x0] =	vst.idx.msk $0xffff, v3  }
0x18e: {  	v47 =	vadd.s32 v62, v12;
	[tilespmem:v25+s15+$0x0] =	vst.idx.msk $0xffff, v41;
	v3 =	vmul.f32 $8.000000000e+00, v63;
	v49 =	vld [tilespmem:s26+$0xFFFFFFB0]  }
0x18f: {  	v50 =	vadd.s32 v56, v13;
	[tilespmem:v24+s15+$0x0] =	vst.idx.msk $0xffff, v2;
	v22 =	vld [tilespmem:s26+$0xFFFFFE40];
	v2 =	vmul.f32 $8.000000000e+00, v26  }
0x190: {  	v51 =	vadd.s32 v53, v11;
	v21 =	vld [tilespmem:s26+$0x0];
	[tilespmem:v32+s15+$0x0] =	vst.idx.msk $0xffff, v3;
	v3 =	vmul.f32 $8.000000000e+00, v33  }
0x191: {  	v54 =	vadd.s32 v43, v6;
	v53 =	vld [tilespmem:s26+$0xFFFFFE80];
	[tilespmem:v34+s15+$0x0] =	vst.idx.msk $0xffff, v2;
	v2 =	vmul.f32 $8.000000000e+00, v40  }
0x192: {  	v0 =	vadd.s32 v0, v7;
	v55 =	vld [tilespmem:s26+$0xFFFFFEC0];
	[tilespmem:v45+s15+$0x0] =	vst.idx.msk $0xffff, v3;
	v3 =	vmul.f32 $8.000000000e+00, v46  }
0x193: {  	v56 =	vadd.s32 v31, v9;
	v57 =	vld [tilespmem:s26+$0xFFFFFF00];
	[tilespmem:v47+s15+$0x0] =	vst.idx.msk $0xffff, v2;
	v2 =	vmul.f32 $8.000000000e+00, v49  }
0x194: {  	v58 =	vadd.s32 v27, v14;
	v60 =	vmul.f32 $8.000000000e+00, v22;
	v10 =	vld [tilespmem:s26+$0xFFFFFF40];
	[tilespmem:v50+s15+$0x0] =	vst.idx.msk $0xffff, v3  }
0x195: {  	v61 =	vadd.s32 v59, v15;
	v3 =	vmul.f32 $8.000000000e+00, v21;
	v62 =	vld [tilespmem:s26+$0xFFFFFF80];
	[tilespmem:v51+s15+$0x0] =	vst.idx.msk $0xffff, v2  }
0x196: {  	v12 =	vadd.s32 v48, v12;
	[tilespmem:v54+s15+$0x0] =	vst.idx.msk $0xffff, v60;
	v2 =	vmul.f32 $8.000000000e+00, v53;
	v16 =	vld [tilespmem:s26+$0xFFFFFFC0]  }
0x197: {  	[tilespmem:v0+s15+$0x0] =	vst.idx.msk $0xffff, v3;
	v3 =	vadd.s32 v52, v13;
	v0 =	vmul.f32 $8.000000000e+00, v55  }
0x198: {  	v63 =	vadd.s32 v42, v11;
	[tilespmem:v56+s15+$0x0] =	vst.idx.msk $0xffff, v2;
	v2 =	vmul.f32 $8.000000000e+00, v57  }
0x199: {  	[tilespmem:v58+s15+$0x0] =	vst.idx.msk $0xffff, v0;
	v0 =	vmul.f32 $8.000000000e+00, v10  }
0x19a: {  	s21 =	sshll.u32 s21, $0x12;
	[tilespmem:v61+s15+$0x0] =	vst.idx.msk $0xffff, v2;
	v2 =	vmul.f32 $8.000000000e+00, v62  }
0x19b: {  	s21 =	sor.u32 s4, s21;
	[tilespmem:v12+s15+$0x0] =	vst.idx.msk $0xffff, v0;
	v0 =	vmul.f32 $8.000000000e+00, v16  }
0x19c: {  	s21 =	sshrl.u32 s21, $0x3;
	[tilespmem:v3+s15+$0x0] =	vst.idx.msk $0xffff, v2  }
0x19d: {  	s28 =	simm.s32 $0xC600;
	s22 =	sadd.s32 s2, s21;
	[tilespmem:v63+s15+$0x0] =	vst.idx.msk $0xffff, v0  }
0x19e: {  	[hbm4b:s22+s3] =	stream.linear.scatter [tilespmem:s28], [sflag:$0x4], $0x80, $0x38;
	[tilespmem:$0xE800] =	vst v63  }
0x19f: {  	s29 =	simm.s32 $0xC688;
	s23 =	sadd.s32 $0x10, s22  }
0x1a0: {  	[hbm4b:s23+s3] =	stream.linear.scatter [tilespmem:s29], [sflag:$0x4], $0x80, $0x38;
	[tilespmem:$0xE800] =	vst v63  }
0x1a1: {  	s30 =	simm.s32 $0xC710;
	s25 =	simm.s32 $0xC820;
	s31 =	sadd.s32 $0x20, s22  }
0x1a2: {  	[hbm4b:s31+s3] =	stream.linear.scatter [tilespmem:s30], [sflag:$0x4], $0x80, $0x38;
	[tilespmem:$0xE800] =	vst v63  }
0x1a3: {  	s21 =	simm.s32 $0x440;
	s24 =	sadd.s32 $0x30, s22;
	s23 =	simm.s32 $0xC798  }
0x1a4: {  	[hbm4b:s24+s3] =	stream.linear.scatter [tilespmem:s23], [sflag:$0x4], $0x80, $0x38;
	[tilespmem:$0xE800] =	vst v63  }
0x1a5: {  	s26 =	sadd.s32 $0x40, s22;
	s28 =	simm.s32 $0xC8A8;
	s29 =	sadd.s32 $0x50, s22  }
0x1a6: {  	[hbm4b:s26+s3] =	stream.linear.scatter [tilespmem:s25], [sflag:$0x4], $0x80, $0x38;
	[tilespmem:$0xE800] =	vst v63  }
0x1a7: {  	s30 =	simm.s32 $0xC930;
	s31 =	sadd.s32 $0x60, s22;
	s23 =	simm.s32 $0x2200  }
0x1a8: {  	[hbm4b:s29+s3] =	stream.linear.scatter [tilespmem:s28], [sflag:$0x4], $0x80, $0x38;
	[tilespmem:$0xE800] =	vst v63  }
0x1a9: {  	s24 =	simm.s32 $0xC9B8;
	s25 =	sadd.s32 $0x70, s22;
	s22 =	sadd.s32 $0x1000, s22  }
0x1aa: {  	v30 =	vmovc v35;
	v28 =	vmovc v36;
	v29 =	vmov v37;
	v31 =	vmov v38;
	v32 =	vmov v39;
	[hbm4b:s31+s3] =	stream.linear.scatter [tilespmem:s30], [sflag:$0x4], $0x80, $0x38;
	[tilespmem:$0xE800] =	vst v63  }
.LBB2_9:
0x1ab: {  	[hbm4b:s25+s3] =	stream.linear.scatter [tilespmem:s24], [sflag:$0x4], $0x80, $0x38;
	[tilespmem:$0xE800] =	vst v63  }
0x1ac: {  	s24 =	smov.u32 s21;
	s21 =	smov.u32 s23  }
0x1ad: {  	s26 =	sadd.s32 $0x1100, s23;
	s21 =	sshra.s32 s21, $0x2;
	s25 =	sadd.s32 $0xC600, s24  }
0x1ae: {  	[hbm4b:s22+s3] =	stream.linear.scatter [tilespmem:s25], [sflag:$0x4], $0x80, $0x38;
	[tilespmem:$0xE800] =	vst v63  }
0x1af: {  	p0 =	sne.s32 s23, $0x7700;
	s23 =	sadd.s32 $0xC688, s24;
	s25 =	sadd.s32 $0x10, s22  }
0x1b0: {  	[hbm4b:s25+s3] =	stream.linear.scatter [tilespmem:s23], [sflag:$0x4], $0x80, $0x38;
	[tilespmem:$0xE800] =	vst v63  }
0x1b1: {  	s23 =	sadd.s32 $0xC710, s24;
	s25 =	sadd.s32 $0x20, s22  }
0x1b2: {  	[hbm4b:s25+s3] =	stream.linear.scatter [tilespmem:s23], [sflag:$0x4], $0x80, $0x38;
	[tilespmem:$0xE800] =	vst v63  }
0x1b3: {  	s23 =	sadd.s32 $0xC798, s24;
	s25 =	sadd.s32 $0x30, s22  }
0x1b4: {  	[hbm4b:s25+s3] =	stream.linear.scatter [tilespmem:s23], [sflag:$0x4], $0x80, $0x38;
	[tilespmem:$0xE800] =	vst v63  }
0x1b5: {  	s23 =	sadd.s32 $0xC820, s24;
	s25 =	sadd.s32 $0x40, s22  }
0x1b6: {  	[hbm4b:s25+s3] =	stream.linear.scatter [tilespmem:s23], [sflag:$0x4], $0x80, $0x38;
	[tilespmem:$0xE800] =	vst v63  }
.Ltmp3:
0x1b7: {  	s23 =	sadd.s32 $0xC8A8, s24;
	s25 =	sadd.s32 $0x50, s22;
	(pc) =	sbr.rel @p0 .LBB2_9-.Ltmp3, $4  }
0x1b8: {  	[hbm4b:s25+s3] =	stream.linear.scatter [tilespmem:s23], [sflag:$0x4], $0x80, $0x38;
	[tilespmem:$0xE800] =	vst v63  }
0x1b9: {  	s23 =	sadd.s32 $0xC930, s24;
	s25 =	sadd.s32 $0x60, s22;
	s24 =	sadd.s32 $0xC9B8, s24  }
0x1ba: {  	[hbm4b:s25+s3] =	stream.linear.scatter [tilespmem:s23], [sflag:$0x4], $0x80, $0x38;
	[tilespmem:$0xE800] =	vst v63  }
0x1bb: {  	s25 =	sadd.s32 $0x70, s22;
	s22 =	sadd.s32 $0x1000, s22;
	s23 =	smov.u32 s26  }
0x1bc: {  	v34 =	vld [tilespmem:$0x1FE00]  }
0x1bd: {  	v11 =	vld [tilespmem:$0x1FE10]  }
0x1be: {  	v40 =	vld [tilespmem:$0x1FE20]  }
0x1bf: {  	v41 =	vld [tilespmem:$0x1FE30]  }
0x1c0: {  	[hbm4b:s25+s3] =	stream.linear.scatter [tilespmem:s24], [sflag:$0x4], $0x80, $0x38;
	v42 =	vld [tilespmem:$0x1FE40]  }
0x1c1: {  	s23 =	sadd.s32 $0xC600, s21;
	v35 =	vld [tilespmem:$0x1FE50]  }
0x1c2: {  	v45 =	vld [tilespmem:$0x1FE60];
	[hbm4b:s22+s3] =	stream.linear.scatter [tilespmem:s23], [sflag:$0x4], $0x80, $0x38  }
0x1c3: {  	s30 =	sadd.s32 $0xC688, s21;
	s31 =	sadd.s32 $0x10, s22;
	v46 =	vld [tilespmem:$0x1FE70]  }
0x1c4: {  	v36 =	vld [tilespmem:$0x1FE80];
	[hbm4b:s31+s3] =	stream.linear.scatter [tilespmem:s30], [sflag:$0x4], $0x80, $0x38  }
0x1c5: {  	s25 =	sadd.s32 $0xC710, s21;
	s26 =	sadd.s32 $0x20, s22;
	v49 =	vld [tilespmem:$0x1FE90]  }
0x1c6: {  	v37 =	vld [tilespmem:$0x1FF90];
	[hbm4b:s26+s3] =	stream.linear.scatter [tilespmem:s25], [sflag:$0x4], $0x80, $0x38  }
0x1c7: {  	s28 =	sadd.s32 $0xC798, s21;
	s29 =	sadd.s32 $0x30, s22;
	v38 =	vld [tilespmem:$0x1FEA0]  }
0x1c8: {  	v53 =	vld [tilespmem:$0x1FEB0];
	[hbm4b:s29+s3] =	stream.linear.scatter [tilespmem:s28], [sflag:$0x4], $0x80, $0x38  }
0x1c9: {  	s20 =	sadd.s32 $0x1, s20;
	v39 =	vld [tilespmem:$0x1FF70];
	s30 =	sadd.s32 $0xC820, s21;
	s31 =	sadd.s32 $0x40, s22  }
0x1ca: {  	v27 =	vmov v44;
	v44 =	vld [tilespmem:$0x1FEC0];
	[hbm4b:s31+s3] =	stream.linear.scatter [tilespmem:s30], [sflag:$0x4], $0x80, $0x38  }
0x1cb: {  	v57 =	vld [tilespmem:$0x1FED0];
	p0 =	sne.s32 s20, $0x64;
	s25 =	sadd.s32 $0xC8A8, s21;
	s26 =	sadd.s32 $0x50, s22  }
0x1cc: {  	v60 =	vld [tilespmem:$0x1FF50];
	[hbm4b:s26+s3] =	stream.linear.scatter [tilespmem:s25], [sflag:$0x4], $0x80, $0x38  }
.Ltmp4:
0x1cd: {  	v58 =	vld [tilespmem:$0x1FEE0];
	(pc) =	sbr.rel @p0 .LBB2_2-.Ltmp4, $4  }
0x1ce: {  	v61 =	vld [tilespmem:$0x1FEF0];
	s28 =	sadd.s32 $0xC930, s21;
	s29 =	sadd.s32 $0x60, s22  }
0x1cf: {  	v62 =	vld [tilespmem:$0x1FF00];
	[hbm4b:s29+s3] =	stream.linear.scatter [tilespmem:s28], [sflag:$0x4], $0x80, $0x38  }
0x1d0: {  	v33 =	vld [tilespmem:$0x1FF30];
	s30 =	sadd.s32 $0xC9B8, s21;
	s31 =	sadd.s32 $0x70, s22  }
0x1d1: {  	v63 =	vld [tilespmem:$0x1FF10];
	[hbm4b:s31+s3] =	stream.linear.scatter [tilespmem:s30], [sflag:$0x4], $0x80, $0x38  }
0x1d2: {  	s19 =	sadd.s32 $0x1, s19  }
0x1d3: {  	_ =	swait.ge [sflag:s17], $0x2000;
	p0 =	sne.s32 s19, s7  }
.Ltmp5:
0x1d4: {  	[sflag:s17] =	ssyncset.done $0x0;
	(pc) =	sbr.rel @p0 .LBB2_1-.Ltmp5, $4  }
0x1d5: {  	[sflag:s17] =	ssyncadd.s32 $0xFFFFE000  }
0x1d6: {  	_ =	swait.ge [sflag:s18], $0x2000  }
0x1d7: {  	[sflag:s18] =	ssyncset.done $0x0  }
0x1d8: {  	[sflag:s18] =	ssyncadd.s32 $0xFFFFE000  }
0x1d9: {  	_ =	sfence.sel $0x180000  }
0x1da: {  	[bflag:$0x0] =	sbarrier.arrive $0xFFFF  }
0x1db: {  	p0 =	sne.s32 s0, $0x0;
	_ =	strace $0x90000047  }
0x1dc: {  	s0 =	sadd.s32 @!p0 $0x100000, s1;
	[bflag:$0x2] =	sbarrier.arrive $0xFFFF  }
0x1dd: {  	[sflag:s0] =	ssyncadd.tile.s32 @!p0 $0x1;
	_ =	shalt  }
.Lfunc_end2:
_tile_overlayer_lowered:
.L_overlay_start_2:
0x1de: {  	(tag) =	ssettag $0x2  }
0x1df: {  	s0 =	rddreg [dreg:$0x0];
	s2 =	stileid.u32  }
0x1e0: {  	s1 =	rddreg [dreg:$0x1];
	p0 =	sne.s32 s2, $0x0  }
0x1e1: {  	s3 =	rddreg [dreg:$0x2];
	[bflag:$0x3] =	sbarrier.arrive $0xFFFF;
	s2 =	simm.s32 @!p0 $0x1C05  }
0x1e2: {  	[timem:s3], [sflag:s2] =	dma.local @!p0 [hbm:s0], s1  }
0x1e3: {  	s0 =	simm.s32 @!p0 $0x5  }
0x1e4: {  	_ =	swait.ge @!p0 [sflag:s0], s1  }
0x1e5: {  	s1 =	ssub.s32 @!p0 $0x0, s1;
	[sflag:s0] =	ssyncset.done @!p0 $0x0  }
0x1e6: {  	[sflag:s0] =	ssyncadd.s32 @!p0 s1  }
0x1e7: {  	[bflag:$0x3] =	sbarrier.arrive $0xFFFF  }
0x1e8: {  	_ =	shalt  }

</sc_bundles>
